<compile_context>
chip_gen: v7x
topology: tpu7x:2x2x1
jax: 0.10.2.dev20260603
libtpu: 0.0.44.dev20260713+nightly
codegen_flags: <defaults>
</compile_context>

<pallas_src>
import jax
import jax.numpy as jnp
from jax import lax
from jax.experimental import pallas as pl
from jax.experimental.pallas import tpu as pltpu
from jax.experimental.pallas import tpu_sc as plsc

_BATCH = 4096
_NN = 16384
_SY = 8192
_NW = 32
_ROWS_PER_W = _BATCH // _NW
_RPC = 2
_G = _ROWS_PER_W // _RPC


def _sc_body(act, comb, out, comb_v, in0, in1, out0, out1, si0, si1, so0, so1):
    c = lax.axis_index("c")
    s = lax.axis_index("s")
    wid = s * 2 + c
    rowbase = wid * _ROWS_PER_W

    pltpu.sync_copy(comb, comb_v)

    ins = (in0, in1)
    outs = (out0, out1)
    sis = (si0, si1)
    sos = (so0, so1)

    def in_copies(g, b):
        row = rowbase + _RPC * g
        return (
            pltpu.make_async_copy(act.at[row], ins[b].at[pl.ds(0, _NN)], sis[b]),
            pltpu.make_async_copy(act.at[row + 1], ins[b].at[pl.ds(_NN, _NN)], sis[b]),
        )

    def out_copies(g, b):
        row = rowbase + _RPC * g
        return (pltpu.make_async_copy(outs[b], out.at[pl.ds(row, _RPC)], sos[b]),)

    def start(copies):
        for cp in copies:
            cp.start()

    def wait(copies):
        for cp in copies:
            cp.wait()

    def compute(b):
        inb = ins[b]
        outb = outs[b]

        inb1 = inb.at[pl.ds(_NN, _NN)]

        @plsc.parallel_loop(0, _SY // 16, unroll=8)
        def _(j):
            cv = comb_v[pl.ds(j * 16, 16)]
            il = cv & 0xFFFF
            ir = cv >> 16
            a0 = plsc.load_gather(inb, [il])
            b0 = plsc.load_gather(inb, [ir])
            outb[0, pl.ds(j * 16, 16)] = a0 * b0
            a1 = plsc.load_gather(inb1, [il])
            b1 = plsc.load_gather(inb1, [ir])
            outb[1, pl.ds(j * 16, 16)] = a1 * b1

    start(in_copies(0, 0))
    start(in_copies(1, 1))

    for b in range(2):
        wait(in_copies(b, b))
        compute(b)
        start(out_copies(b, b))
        start(in_copies(b + 2, b))

    def outer(gg, carry):
        for b in range(2):
            g = 2 * gg + b
            wait(in_copies(g, b))
            wait(out_copies(g - 2, b))
            compute(b)
            start(out_copies(g, b))
            start(in_copies(g + 2, b))
        return carry

    lax.fori_loop(1, _G // 2 - 1, outer, None)

    for b in range(2):
        g = _G - 2 + b
        wait(in_copies(g, b))
        wait(out_copies(g - 2, b))
        compute(b)
        start(out_copies(g, b))
    for b in range(2):
        wait(out_copies(_G - 2 + b, b))


def kernel(post_activations, left_indices, right_indices):
    li = left_indices.astype(jnp.int32)
    ri = right_indices.astype(jnp.int32)
    comb = li | (ri << 16)

    mesh = plsc.VectorSubcoreMesh(core_axis_name="c", subcore_axis_name="s")
    f = pl.kernel(
        _sc_body,
        out_type=jax.ShapeDtypeStruct((_BATCH, _SY), jnp.float32),
        mesh=mesh,
        scratch_types=[
            pltpu.VMEM((_SY,), jnp.int32),
            pltpu.VMEM((_RPC * _NN,), jnp.float32),
            pltpu.VMEM((_RPC * _NN,), jnp.float32),
            pltpu.VMEM((_RPC, _SY), jnp.float32),
            pltpu.VMEM((_RPC, _SY), jnp.float32),
            pltpu.SemaphoreType.DMA,
            pltpu.SemaphoreType.DMA,
            pltpu.SemaphoreType.DMA,
            pltpu.SemaphoreType.DMA,
        ],
        compiler_params=pltpu.CompilerParams(needs_layout_passes=False),
    )
    return f(post_activations, comb)

# --- scband reference (transcript-rebuilt; emitter-appended) ---
"""Pipeline reference for scband-synchronisation-manager-51651276701814 (READ-ONLY COPY).

The authoritative reference and input builder live on the scoring server;
editing this copy changes nothing except your own understanding.
"""

import jax, jax.numpy as jnp
import numpy as np

NUM_NEURONS = 16384
SYNC_SIZE_OUT = 8192
BATCH = 4096


def setup_inputs(seed: int = 0) -> dict:
    key = jax.random.key(seed)
    k1, k2, k3 = jax.random.split(key, 3)
    post_activations = jax.random.normal(k1, (BATCH, NUM_NEURONS), dtype=jnp.float32)
    # Buffers built in __init__ via np.random.choice(replace=False):
    left_indices = jax.random.permutation(k2, NUM_NEURONS)[:SYNC_SIZE_OUT]
    right_indices = jax.random.permutation(k3, NUM_NEURONS)[:SYNC_SIZE_OUT]
    return {
        "post_activations": post_activations,
        "left_indices": left_indices,
        "right_indices": right_indices,
    }


def reference(post_activations, left_indices, right_indices):
    # SynchronisationManager.compute_pairwise_products(post_activations, sync_type='out')
    selected_left = jnp.take(post_activations, left_indices, axis=1)
    selected_right = jnp.take(post_activations, right_indices, axis=1)
    pairwise_products = selected_left * selected_right
    return pairwise_products

if __name__ == "__main__":
    import jax
    _d = setup_inputs()
    print(jax.jit(kernel)(*tuple(_d.values())))

</pallas_src>

<mosaic_0001>
#map = affine_map<(d0, d1) -> (0, 0)>
#map1 = affine_map<(d0, d1) -> (0)>
module attributes {stable_mosaic.version = 14 : i64} {
  func.func @_sc_body(%arg0: i32, %arg1: i32, %arg2: memref<4096x16384xf32, #tpu.memory_space<hbm>>, %arg3: memref<8192xi32, #tpu.memory_space<hbm>>, %arg4: memref<4096x8192xf32, #tpu.memory_space<hbm>>, %arg5: memref<8192xi32, #tpu.memory_space<vmem>>, %arg6: memref<32768xf32, #tpu.memory_space<vmem>>, %arg7: memref<32768xf32, #tpu.memory_space<vmem>>, %arg8: memref<2x8192xf32, #tpu.memory_space<vmem>>, %arg9: memref<2x8192xf32, #tpu.memory_space<vmem>>, %arg10: memref<!tpu.dma_semaphore, #tpu.memory_space<semaphore_mem>>, %arg11: memref<!tpu.dma_semaphore, #tpu.memory_space<semaphore_mem>>, %arg12: memref<!tpu.dma_semaphore, #tpu.memory_space<semaphore_mem>>, %arg13: memref<!tpu.dma_semaphore, #tpu.memory_space<semaphore_mem>>) attributes {dimension_semantics = [#tpu.dimension_semantics<core_parallel>, #tpu.dimension_semantics<subcore_parallel>], iteration_bounds = array<i64: 2, 16>, scalar_prefetch = 0 : i64, scratch_operands = 9 : i64, tpu.core_type = #tpu.core_type<sc_vector_subcore>, window_params = [{transform_indices = #map}, {transform_indices = #map1}, {transform_indices = #map}]} {
    %mul3A = arith.constant 2 : i32
    %mul3A_0 = arith.muli %arg1, %mul3A : i32
    %add3A = arith.addi %mul3A_0, %arg0 : i32
    %mul3A_1 = arith.constant 128 : i32
    %mul3A_2 = arith.muli %add3A, %mul3A_1 : i32
    "tpu.region"() ({
      %run_scoped3A = tpu.sem_alloc : memref<!tpu.dma_semaphore, #tpu.memory_space<semaphore_mem>>
      tpu.enqueue_dma source(%arg3 : memref<8192xi32, #tpu.memory_space<hbm>>) target(%arg5 : memref<8192xi32, #tpu.memory_space<vmem>>) target_semaphore(%run_scoped3A : memref<!tpu.dma_semaphore, #tpu.memory_space<semaphore_mem>>)
      tpu.wait_dma2 semaphore(%run_scoped3A : memref<!tpu.dma_semaphore, #tpu.memory_space<semaphore_mem>>) src(%arg3 : memref<8192xi32, #tpu.memory_space<hbm>>) dst(%arg5 : memref<8192xi32, #tpu.memory_space<vmem>>)
      tpu.yield
    }) : () -> ()
    %add3A_3 = arith.constant 0 : i32
    %add3A_4 = arith.addi %mul3A_2, %add3A_3 : i32
    %add3A_5 = arith.constant 1 : i32
    %add3A_6 = arith.addi %add3A_4, %add3A_5 : i32
    %dma_start3A = arith.constant 0 : i32
    %dma_start3A_7 = tpu.memref_slice %arg6[%dma_start3A] : memref<32768xf32, #tpu.memory_space<vmem>> -> memref<16384xf32, #tpu.memory_space<vmem>>
    %dma_start3A_8 = arith.constant 0 : i32
    %dma_start3A_9 = tpu.memref_slice %arg2[%add3A_4, %dma_start3A_8] : memref<4096x16384xf32, #tpu.memory_space<hbm>> -> memref<1x16384xf32, #tpu.memory_space<hbm>>
    %dma_start3A_10 = tpu.memref_squeeze %dma_start3A_9 : memref<1x16384xf32, #tpu.memory_space<hbm>> -> memref<16384xf32, #tpu.memory_space<hbm>>
    %dma_start3A_11 = arith.constant 0 : i32
    %dma_start3A_12 = tpu.memref_slice %arg6[%dma_start3A_11] : memref<32768xf32, #tpu.memory_space<vmem>> -> memref<16384xf32, #tpu.memory_space<vmem>>
    %dma_start3A_13 = arith.constant 0 : i32
    %dma_start3A_14 = tpu.memref_slice %arg2[%add3A_4, %dma_start3A_13] : memref<4096x16384xf32, #tpu.memory_space<hbm>> -> memref<1x16384xf32, #tpu.memory_space<hbm>>
    %dma_start3A_15 = tpu.memref_squeeze %dma_start3A_14 : memref<1x16384xf32, #tpu.memory_space<hbm>> -> memref<16384xf32, #tpu.memory_space<hbm>>
    tpu.enqueue_dma source(%dma_start3A_15 : memref<16384xf32, #tpu.memory_space<hbm>>) target(%dma_start3A_12 : memref<16384xf32, #tpu.memory_space<vmem>>) target_semaphore(%arg10 : memref<!tpu.dma_semaphore, #tpu.memory_space<semaphore_mem>>)
    %dma_start3A_16 = arith.constant 16384 : i32
    %dma_start3A_17 = tpu.memref_slice %arg6[%dma_start3A_16] : memref<32768xf32, #tpu.memory_space<vmem>> -> memref<16384xf32, #tpu.memory_space<vmem>>
    %dma_start3A_18 = arith.constant 0 : i32
    %dma_start3A_19 = tpu.memref_slice %arg2[%add3A_6, %dma_start3A_18] : memref<4096x16384xf32, #tpu.memory_space<hbm>> -> memref<1x16384xf32, #tpu.memory_space<hbm>>
    %dma_start3A_20 = tpu.memref_squeeze %dma_start3A_19 : memref<1x16384xf32, #tpu.memory_space<hbm>> -> memref<16384xf32, #tpu.memory_space<hbm>>
    %dma_start3A_21 = arith.constant 16384 : i32
    %dma_start3A_22 = tpu.memref_slice %arg6[%dma_start3A_21] : memref<32768xf32, #tpu.memory_space<vmem>> -> memref<16384xf32, #tpu.memory_space<vmem>>
    %dma_start3A_23 = arith.constant 0 : i32
    %dma_start3A_24 = tpu.memref_slice %arg2[%add3A_6, %dma_start3A_23] : memref<4096x16384xf32, #tpu.memory_space<hbm>> -> memref<1x16384xf32, #tpu.memory_space<hbm>>
    %dma_start3A_25 = tpu.memref_squeeze %dma_start3A_24 : memref<1x16384xf32, #tpu.memory_space<hbm>> -> memref<16384xf32, #tpu.memory_space<hbm>>
    tpu.enqueue_dma source(%dma_start3A_25 : memref<16384xf32, #tpu.memory_space<hbm>>) target(%dma_start3A_22 : memref<16384xf32, #tpu.memory_space<vmem>>) target_semaphore(%arg10 : memref<!tpu.dma_semaphore, #tpu.memory_space<semaphore_mem>>)
    %add3A_26 = arith.constant 2 : i32
    %add3A_27 = arith.addi %mul3A_2, %add3A_26 : i32
    %add3A_28 = arith.constant 1 : i32
    %add3A_29 = arith.addi %add3A_27, %add3A_28 : i32
    %dma_start3A_30 = arith.constant 0 : i32
    %dma_start3A_31 = tpu.memref_slice %arg7[%dma_start3A_30] : memref<32768xf32, #tpu.memory_space<vmem>> -> memref<16384xf32, #tpu.memory_space<vmem>>
    %dma_start3A_32 = arith.constant 0 : i32
    %dma_start3A_33 = tpu.memref_slice %arg2[%add3A_27, %dma_start3A_32] : memref<4096x16384xf32, #tpu.memory_space<hbm>> -> memref<1x16384xf32, #tpu.memory_space<hbm>>
    %dma_start3A_34 = tpu.memref_squeeze %dma_start3A_33 : memref<1x16384xf32, #tpu.memory_space<hbm>> -> memref<16384xf32, #tpu.memory_space<hbm>>
    %dma_start3A_35 = arith.constant 0 : i32
    %dma_start3A_36 = tpu.memref_slice %arg7[%dma_start3A_35] : memref<32768xf32, #tpu.memory_space<vmem>> -> memref<16384xf32, #tpu.memory_space<vmem>>
    %dma_start3A_37 = arith.constant 0 : i32
    %dma_start3A_38 = tpu.memref_slice %arg2[%add3A_27, %dma_start3A_37] : memref<4096x16384xf32, #tpu.memory_space<hbm>> -> memref<1x16384xf32, #tpu.memory_space<hbm>>
    %dma_start3A_39 = tpu.memref_squeeze %dma_start3A_38 : memref<1x16384xf32, #tpu.memory_space<hbm>> -> memref<16384xf32, #tpu.memory_space<hbm>>
    tpu.enqueue_dma source(%dma_start3A_39 : memref<16384xf32, #tpu.memory_space<hbm>>) target(%dma_start3A_36 : memref<16384xf32, #tpu.memory_space<vmem>>) target_semaphore(%arg11 : memref<!tpu.dma_semaphore, #tpu.memory_space<semaphore_mem>>)
    %dma_start3A_40 = arith.constant 16384 : i32
    %dma_start3A_41 = tpu.memref_slice %arg7[%dma_start3A_40] : memref<32768xf32, #tpu.memory_space<vmem>> -> memref<16384xf32, #tpu.memory_space<vmem>>
    %dma_start3A_42 = arith.constant 0 : i32
    %dma_start3A_43 = tpu.memref_slice %arg2[%add3A_29, %dma_start3A_42] : memref<4096x16384xf32, #tpu.memory_space<hbm>> -> memref<1x16384xf32, #tpu.memory_space<hbm>>
    %dma_start3A_44 = tpu.memref_squeeze %dma_start3A_43 : memref<1x16384xf32, #tpu.memory_space<hbm>> -> memref<16384xf32, #tpu.memory_space<hbm>>
    %dma_start3A_45 = arith.constant 16384 : i32
    %dma_start3A_46 = tpu.memref_slice %arg7[%dma_start3A_45] : memref<32768xf32, #tpu.memory_space<vmem>> -> memref<16384xf32, #tpu.memory_space<vmem>>
    %dma_start3A_47 = arith.constant 0 : i32
    %dma_start3A_48 = tpu.memref_slice %arg2[%add3A_29, %dma_start3A_47] : memref<4096x16384xf32, #tpu.memory_space<hbm>> -> memref<1x16384xf32, #tpu.memory_space<hbm>>
    %dma_start3A_49 = tpu.memref_squeeze %dma_start3A_48 : memref<1x16384xf32, #tpu.memory_space<hbm>> -> memref<16384xf32, #tpu.memory_space<hbm>>
    tpu.enqueue_dma source(%dma_start3A_49 : memref<16384xf32, #tpu.memory_space<hbm>>) target(%dma_start3A_46 : memref<16384xf32, #tpu.memory_space<vmem>>) target_semaphore(%arg11 : memref<!tpu.dma_semaphore, #tpu.memory_space<semaphore_mem>>)
    %add3A_50 = arith.constant 0 : i32
    %add3A_51 = arith.addi %mul3A_2, %add3A_50 : i32
    %add3A_52 = arith.constant 1 : i32
    %add3A_53 = arith.addi %add3A_51, %add3A_52 : i32
    %dma_wait3A = arith.constant 0 : i32
    %dma_wait3A_54 = tpu.memref_slice %arg6[%dma_wait3A] : memref<32768xf32, #tpu.memory_space<vmem>> -> memref<16384xf32, #tpu.memory_space<vmem>>
    %dma_wait3A_55 = arith.constant 0 : i32
    %dma_wait3A_56 = tpu.memref_slice %arg2[%add3A_51, %dma_wait3A_55] : memref<4096x16384xf32, #tpu.memory_space<hbm>> -> memref<1x16384xf32, #tpu.memory_space<hbm>>
    %dma_wait3A_57 = tpu.memref_squeeze %dma_wait3A_56 : memref<1x16384xf32, #tpu.memory_space<hbm>> -> memref<16384xf32, #tpu.memory_space<hbm>>
    %dma_wait3A_58 = arith.constant 0 : i32
    %dma_wait3A_59 = tpu.memref_slice %arg6[%dma_wait3A_58] : memref<32768xf32, #tpu.memory_space<vmem>> -> memref<16384xf32, #tpu.memory_space<vmem>>
    %dma_wait3A_60 = arith.constant 0 : i32
    %dma_wait3A_61 = tpu.memref_slice %arg2[%add3A_51, %dma_wait3A_60] : memref<4096x16384xf32, #tpu.memory_space<hbm>> -> memref<1x16384xf32, #tpu.memory_space<hbm>>
    %dma_wait3A_62 = tpu.memref_squeeze %dma_wait3A_61 : memref<1x16384xf32, #tpu.memory_space<hbm>> -> memref<16384xf32, #tpu.memory_space<hbm>>
    tpu.wait_dma2 semaphore(%arg10 : memref<!tpu.dma_semaphore, #tpu.memory_space<semaphore_mem>>) src(%dma_wait3A_62 : memref<16384xf32, #tpu.memory_space<hbm>>) dst(%dma_wait3A_59 : memref<16384xf32, #tpu.memory_space<vmem>>)
    %dma_wait3A_63 = arith.constant 16384 : i32
    %dma_wait3A_64 = tpu.memref_slice %arg6[%dma_wait3A_63] : memref<32768xf32, #tpu.memory_space<vmem>> -> memref<16384xf32, #tpu.memory_space<vmem>>
    %dma_wait3A_65 = arith.constant 0 : i32
    %dma_wait3A_66 = tpu.memref_slice %arg2[%add3A_53, %dma_wait3A_65] : memref<4096x16384xf32, #tpu.memory_space<hbm>> -> memref<1x16384xf32, #tpu.memory_space<hbm>>
    %dma_wait3A_67 = tpu.memref_squeeze %dma_wait3A_66 : memref<1x16384xf32, #tpu.memory_space<hbm>> -> memref<16384xf32, #tpu.memory_space<hbm>>
    %dma_wait3A_68 = arith.constant 16384 : i32
    %dma_wait3A_69 = tpu.memref_slice %arg6[%dma_wait3A_68] : memref<32768xf32, #tpu.memory_space<vmem>> -> memref<16384xf32, #tpu.memory_space<vmem>>
    %dma_wait3A_70 = arith.constant 0 : i32
    %dma_wait3A_71 = tpu.memref_slice %arg2[%add3A_53, %dma_wait3A_70] : memref<4096x16384xf32, #tpu.memory_space<hbm>> -> memref<1x16384xf32, #tpu.memory_space<hbm>>
    %dma_wait3A_72 = tpu.memref_squeeze %dma_wait3A_71 : memref<1x16384xf32, #tpu.memory_space<hbm>> -> memref<16384xf32, #tpu.memory_space<hbm>>
    tpu.wait_dma2 semaphore(%arg10 : memref<!tpu.dma_semaphore, #tpu.memory_space<semaphore_mem>>) src(%dma_wait3A_72 : memref<16384xf32, #tpu.memory_space<hbm>>) dst(%dma_wait3A_69 : memref<16384xf32, #tpu.memory_space<vmem>>)
    %parallel_loop3A = arith.constant 0 : i32
    %parallel_loop3A_73 = arith.constant 512 : i32
    %parallel_loop3A_74 = arith.constant 1 : i32
    scf.for %parallel_loop3A_256 = %parallel_loop3A to %parallel_loop3A_73 step %parallel_loop3A_74  : i32 {
      %parallel_loop3A_257 = arith.constant 16 : i32
      %parallel_loop3A_258 = arith.muli %parallel_loop3A_256, %parallel_loop3A_257 : i32
      %parallel_loop3A_259 = arith.index_cast %parallel_loop3A_258 : i32 to index
      %parallel_loop3A_260 = tpu.vector_load %arg5[%parallel_loop3A_259] {strides = array<i32>} : memref<8192xi32, #tpu.memory_space<vmem>>, vector<16xi32>,
      %parallel_loop3A_261 = arith.constant 65535 : i32
      %parallel_loop3A_262 = vector.broadcast %parallel_loop3A_261 : i32 to vector<16xi32>
      %parallel_loop3A_263 = arith.andi %parallel_loop3A_260, %parallel_loop3A_262 : vector<16xi32>
      %parallel_loop3A_264 = arith.constant 16 : i32
      %parallel_loop3A_265 = vector.broadcast %parallel_loop3A_264 : i32 to vector<16xi32>
      %parallel_loop3A_266 = arith.shrsi %parallel_loop3A_260, %parallel_loop3A_265 : vector<16xi32>
      %parallel_loop3A_267 = tpu.vector_load_idx %arg6[%parallel_loop3A_263] : memref<32768xf32, #tpu.memory_space<vmem>>[vector<16xi32>], vector<16xf32>,
      %parallel_loop3A_268 = tpu.vector_load_idx %arg6[%parallel_loop3A_266] : memref<32768xf32, #tpu.memory_space<vmem>>[vector<16xi32>], vector<16xf32>,
      %parallel_loop3A_269 = arith.mulf %parallel_loop3A_267, %parallel_loop3A_268 : vector<16xf32>
      %parallel_loop3A_270 = arith.constant 16 : i32
      %parallel_loop3A_271 = arith.muli %parallel_loop3A_256, %parallel_loop3A_270 : i32
      %parallel_loop3A_272 = arith.constant 0 : i32
      %parallel_loop3A_273 = arith.index_cast %parallel_loop3A_272 : i32 to index
      %parallel_loop3A_274 = arith.index_cast %parallel_loop3A_271 : i32 to index
      %parallel_loop3A_275 = tpu.vector_load %arg8[%parallel_loop3A_273, %parallel_loop3A_274] {strides = array<i32>} : memref<2x8192xf32, #tpu.memory_space<vmem>>, vector<16xf32>,
      tpu.vector_store %arg8[%parallel_loop3A_273, %parallel_loop3A_274], %parallel_loop3A_269 {strides = array<i32>} : memref<2x8192xf32, #tpu.memory_space<vmem>>, vector<16xf32>,
      %parallel_loop3A_276 = arith.constant 16384 : i32
      %parallel_loop3A_277 = tpu.memref_slice %arg6[%parallel_loop3A_276] : memref<32768xf32, #tpu.memory_space<vmem>> -> memref<16384xf32, #tpu.memory_space<vmem>>
      %parallel_loop3A_278 = tpu.vector_load_idx %parallel_loop3A_277[%parallel_loop3A_263] : memref<16384xf32, #tpu.memory_space<vmem>>[vector<16xi32>], vector<16xf32>,
      %parallel_loop3A_279 = arith.constant 16384 : i32
      %parallel_loop3A_280 = tpu.memref_slice %arg6[%parallel_loop3A_279] : memref<32768xf32, #tpu.memory_space<vmem>> -> memref<16384xf32, #tpu.memory_space<vmem>>
      %parallel_loop3A_281 = tpu.vector_load_idx %parallel_loop3A_280[%parallel_loop3A_266] : memref<16384xf32, #tpu.memory_space<vmem>>[vector<16xi32>], vector<16xf32>,
      %parallel_loop3A_282 = arith.mulf %parallel_loop3A_278, %parallel_loop3A_281 : vector<16xf32>
      %parallel_loop3A_283 = arith.constant 16 : i32
      %parallel_loop3A_284 = arith.muli %parallel_loop3A_256, %parallel_loop3A_283 : i32
      %parallel_loop3A_285 = arith.constant 1 : i32
      %parallel_loop3A_286 = arith.index_cast %parallel_loop3A_285 : i32 to index
      %parallel_loop3A_287 = arith.index_cast %parallel_loop3A_284 : i32 to index
      %parallel_loop3A_288 = tpu.vector_load %arg8[%parallel_loop3A_286, %parallel_loop3A_287] {strides = array<i32>} : memref<2x8192xf32, #tpu.memory_space<vmem>>, vector<16xf32>,
      tpu.vector_store %arg8[%parallel_loop3A_286, %parallel_loop3A_287], %parallel_loop3A_282 {strides = array<i32>} : memref<2x8192xf32, #tpu.memory_space<vmem>>, vector<16xf32>,
    } {sc.loop_unroll_factor = 8 : i64, sc.parallel_access}
    %add3A_75 = arith.constant 0 : i32
    %add3A_76 = arith.addi %mul3A_2, %add3A_75 : i32
    %dma_start3A_77 = arith.constant 0 : i32
    %dma_start3A_78 = tpu.memref_slice %arg4[%add3A_76, %dma_start3A_77] : memref<4096x8192xf32, #tpu.memory_space<hbm>> -> memref<2x8192xf32, #tpu.memory_space<hbm>>
    %dma_start3A_79 = arith.constant 0 : i32
    %dma_start3A_80 = tpu.memref_slice %arg4[%add3A_76, %dma_start3A_79] : memref<4096x8192xf32, #tpu.memory_space<hbm>> -> memref<2x8192xf32, #tpu.memory_space<hbm>>
    tpu.enqueue_dma source(%arg8 : memref<2x8192xf32, #tpu.memory_space<vmem>>) target(%dma_start3A_80 : memref<2x8192xf32, #tpu.memory_space<hbm>>) target_semaphore(%arg12 : memref<!tpu.dma_semaphore, #tpu.memory_space<semaphore_mem>>)
    %add3A_81 = arith.constant 4 : i32
    %add3A_82 = arith.addi %mul3A_2, %add3A_81 : i32
    %add3A_83 = arith.constant 1 : i32
    %add3A_84 = arith.addi %add3A_82, %add3A_83 : i32
    %dma_start3A_85 = arith.constant 0 : i32
    %dma_start3A_86 = tpu.memref_slice %arg6[%dma_start3A_85] : memref<32768xf32, #tpu.memory_space<vmem>> -> memref<16384xf32, #tpu.memory_space<vmem>>
    %dma_start3A_87 = arith.constant 0 : i32
    %dma_start3A_88 = tpu.memref_slice %arg2[%add3A_82, %dma_start3A_87] : memref<4096x16384xf32, #tpu.memory_space<hbm>> -> memref<1x16384xf32, #tpu.memory_space<hbm>>
    %dma_start3A_89 = tpu.memref_squeeze %dma_start3A_88 : memref<1x16384xf32, #tpu.memory_space<hbm>> -> memref<16384xf32, #tpu.memory_space<hbm>>
    %dma_start3A_90 = arith.constant 0 : i32
    %dma_start3A_91 = tpu.memref_slice %arg6[%dma_start3A_90] : memref<32768xf32, #tpu.memory_space<vmem>> -> memref<16384xf32, #tpu.memory_space<vmem>>
    %dma_start3A_92 = arith.constant 0 : i32
    %dma_start3A_93 = tpu.memref_slice %arg2[%add3A_82, %dma_start3A_92] : memref<4096x16384xf32, #tpu.memory_space<hbm>> -> memref<1x16384xf32, #tpu.memory_space<hbm>>
    %dma_start3A_94 = tpu.memref_squeeze %dma_start3A_93 : memref<1x16384xf32, #tpu.memory_space<hbm>> -> memref<16384xf32, #tpu.memory_space<hbm>>
    tpu.enqueue_dma source(%dma_start3A_94 : memref<16384xf32, #tpu.memory_space<hbm>>) target(%dma_start3A_91 : memref<16384xf32, #tpu.memory_space<vmem>>) target_semaphore(%arg10 : memref<!tpu.dma_semaphore, #tpu.memory_space<semaphore_mem>>)
    %dma_start3A_95 = arith.constant 16384 : i32
    %dma_start3A_96 = tpu.memref_slice %arg6[%dma_start3A_95] : memref<32768xf32, #tpu.memory_space<vmem>> -> memref<16384xf32, #tpu.memory_space<vmem>>
    %dma_start3A_97 = arith.constant 0 : i32
    %dma_start3A_98 = tpu.memref_slice %arg2[%add3A_84, %dma_start3A_97] : memref<4096x16384xf32, #tpu.memory_space<hbm>> -> memref<1x16384xf32, #tpu.memory_space<hbm>>
    %dma_start3A_99 = tpu.memref_squeeze %dma_start3A_98 : memref<1x16384xf32, #tpu.memory_space<hbm>> -> memref<16384xf32, #tpu.memory_space<hbm>>
    %dma_start3A_100 = arith.constant 16384 : i32
    %dma_start3A_101 = tpu.memref_slice %arg6[%dma_start3A_100] : memref<32768xf32, #tpu.memory_space<vmem>> -> memref<16384xf32, #tpu.memory_space<vmem>>
    %dma_start3A_102 = arith.constant 0 : i32
    %dma_start3A_103 = tpu.memref_slice %arg2[%add3A_84, %dma_start3A_102] : memref<4096x16384xf32, #tpu.memory_space<hbm>> -> memref<1x16384xf32, #tpu.memory_space<hbm>>
    %dma_start3A_104 = tpu.memref_squeeze %dma_start3A_103 : memref<1x16384xf32, #tpu.memory_space<hbm>> -> memref<16384xf32, #tpu.memory_space<hbm>>
    tpu.enqueue_dma source(%dma_start3A_104 : memref<16384xf32, #tpu.memory_space<hbm>>) target(%dma_start3A_101 : memref<16384xf32, #tpu.memory_space<vmem>>) target_semaphore(%arg10 : memref<!tpu.dma_semaphore, #tpu.memory_space<semaphore_mem>>)
    %add3A_105 = arith.constant 2 : i32
    %add3A_106 = arith.addi %mul3A_2, %add3A_105 : i32
    %add3A_107 = arith.constant 1 : i32
    %add3A_108 = arith.addi %add3A_106, %add3A_107 : i32
    %dma_wait3A_109 = arith.constant 0 : i32
    %dma_wait3A_110 = tpu.memref_slice %arg7[%dma_wait3A_109] : memref<32768xf32, #tpu.memory_space<vmem>> -> memref<16384xf32, #tpu.memory_space<vmem>>
    %dma_wait3A_111 = arith.constant 0 : i32
    %dma_wait3A_112 = tpu.memref_slice %arg2[%add3A_106, %dma_wait3A_111] : memref<4096x16384xf32, #tpu.memory_space<hbm>> -> memref<1x16384xf32, #tpu.memory_space<hbm>>
    %dma_wait3A_113 = tpu.memref_squeeze %dma_wait3A_112 : memref<1x16384xf32, #tpu.memory_space<hbm>> -> memref<16384xf32, #tpu.memory_space<hbm>>
    %dma_wait3A_114 = arith.constant 0 : i32
    %dma_wait3A_115 = tpu.memref_slice %arg7[%dma_wait3A_114] : memref<32768xf32, #tpu.memory_space<vmem>> -> memref<16384xf32, #tpu.memory_space<vmem>>
    %dma_wait3A_116 = arith.constant 0 : i32
    %dma_wait3A_117 = tpu.memref_slice %arg2[%add3A_106, %dma_wait3A_116] : memref<4096x16384xf32, #tpu.memory_space<hbm>> -> memref<1x16384xf32, #tpu.memory_space<hbm>>
    %dma_wait3A_118 = tpu.memref_squeeze %dma_wait3A_117 : memref<1x16384xf32, #tpu.memory_space<hbm>> -> memref<16384xf32, #tpu.memory_space<hbm>>
    tpu.wait_dma2 semaphore(%arg11 : memref<!tpu.dma_semaphore, #tpu.memory_space<semaphore_mem>>) src(%dma_wait3A_118 : memref<16384xf32, #tpu.memory_space<hbm>>) dst(%dma_wait3A_115 : memref<16384xf32, #tpu.memory_space<vmem>>)
    %dma_wait3A_119 = arith.constant 16384 : i32
    %dma_wait3A_120 = tpu.memref_slice %arg7[%dma_wait3A_119] : memref<32768xf32, #tpu.memory_space<vmem>> -> memref<16384xf32, #tpu.memory_space<vmem>>
    %dma_wait3A_121 = arith.constant 0 : i32
    %dma_wait3A_122 = tpu.memref_slice %arg2[%add3A_108, %dma_wait3A_121] : memref<4096x16384xf32, #tpu.memory_space<hbm>> -> memref<1x16384xf32, #tpu.memory_space<hbm>>
    %dma_wait3A_123 = tpu.memref_squeeze %dma_wait3A_122 : memref<1x16384xf32, #tpu.memory_space<hbm>> -> memref<16384xf32, #tpu.memory_space<hbm>>
    %dma_wait3A_124 = arith.constant 16384 : i32
    %dma_wait3A_125 = tpu.memref_slice %arg7[%dma_wait3A_124] : memref<32768xf32, #tpu.memory_space<vmem>> -> memref<16384xf32, #tpu.memory_space<vmem>>
    %dma_wait3A_126 = arith.constant 0 : i32
    %dma_wait3A_127 = tpu.memref_slice %arg2[%add3A_108, %dma_wait3A_126] : memref<4096x16384xf32, #tpu.memory_space<hbm>> -> memref<1x16384xf32, #tpu.memory_space<hbm>>
    %dma_wait3A_128 = tpu.memref_squeeze %dma_wait3A_127 : memref<1x16384xf32, #tpu.memory_space<hbm>> -> memref<16384xf32, #tpu.memory_space<hbm>>
    tpu.wait_dma2 semaphore(%arg11 : memref<!tpu.dma_semaphore, #tpu.memory_space<semaphore_mem>>) src(%dma_wait3A_128 : memref<16384xf32, #tpu.memory_space<hbm>>) dst(%dma_wait3A_125 : memref<16384xf32, #tpu.memory_space<vmem>>)
    %parallel_loop3A_129 = arith.constant 0 : i32
    %parallel_loop3A_130 = arith.constant 512 : i32
    %parallel_loop3A_131 = arith.constant 1 : i32
    scf.for %parallel_loop3A_256 = %parallel_loop3A_129 to %parallel_loop3A_130 step %parallel_loop3A_131  : i32 {
      %parallel_loop3A_257 = arith.constant 16 : i32
      %parallel_loop3A_258 = arith.muli %parallel_loop3A_256, %parallel_loop3A_257 : i32
      %parallel_loop3A_259 = arith.index_cast %parallel_loop3A_258 : i32 to index
      %parallel_loop3A_260 = tpu.vector_load %arg5[%parallel_loop3A_259] {strides = array<i32>} : memref<8192xi32, #tpu.memory_space<vmem>>, vector<16xi32>,
      %parallel_loop3A_261 = arith.constant 65535 : i32
      %parallel_loop3A_262 = vector.broadcast %parallel_loop3A_261 : i32 to vector<16xi32>
      %parallel_loop3A_263 = arith.andi %parallel_loop3A_260, %parallel_loop3A_262 : vector<16xi32>
      %parallel_loop3A_264 = arith.constant 16 : i32
      %parallel_loop3A_265 = vector.broadcast %parallel_loop3A_264 : i32 to vector<16xi32>
      %parallel_loop3A_266 = arith.shrsi %parallel_loop3A_260, %parallel_loop3A_265 : vector<16xi32>
      %parallel_loop3A_267 = tpu.vector_load_idx %arg7[%parallel_loop3A_263] : memref<32768xf32, #tpu.memory_space<vmem>>[vector<16xi32>], vector<16xf32>,
      %parallel_loop3A_268 = tpu.vector_load_idx %arg7[%parallel_loop3A_266] : memref<32768xf32, #tpu.memory_space<vmem>>[vector<16xi32>], vector<16xf32>,
      %parallel_loop3A_269 = arith.mulf %parallel_loop3A_267, %parallel_loop3A_268 : vector<16xf32>
      %parallel_loop3A_270 = arith.constant 16 : i32
      %parallel_loop3A_271 = arith.muli %parallel_loop3A_256, %parallel_loop3A_270 : i32
      %parallel_loop3A_272 = arith.constant 0 : i32
      %parallel_loop3A_273 = arith.index_cast %parallel_loop3A_272 : i32 to index
      %parallel_loop3A_274 = arith.index_cast %parallel_loop3A_271 : i32 to index
      %parallel_loop3A_275 = tpu.vector_load %arg9[%parallel_loop3A_273, %parallel_loop3A_274] {strides = array<i32>} : memref<2x8192xf32, #tpu.memory_space<vmem>>, vector<16xf32>,
      tpu.vector_store %arg9[%parallel_loop3A_273, %parallel_loop3A_274], %parallel_loop3A_269 {strides = array<i32>} : memref<2x8192xf32, #tpu.memory_space<vmem>>, vector<16xf32>,
      %parallel_loop3A_276 = arith.constant 16384 : i32
      %parallel_loop3A_277 = tpu.memref_slice %arg7[%parallel_loop3A_276] : memref<32768xf32, #tpu.memory_space<vmem>> -> memref<16384xf32, #tpu.memory_space<vmem>>
      %parallel_loop3A_278 = tpu.vector_load_idx %parallel_loop3A_277[%parallel_loop3A_263] : memref<16384xf32, #tpu.memory_space<vmem>>[vector<16xi32>], vector<16xf32>,
      %parallel_loop3A_279 = arith.constant 16384 : i32
      %parallel_loop3A_280 = tpu.memref_slice %arg7[%parallel_loop3A_279] : memref<32768xf32, #tpu.memory_space<vmem>> -> memref<16384xf32, #tpu.memory_space<vmem>>
      %parallel_loop3A_281 = tpu.vector_load_idx %parallel_loop3A_280[%parallel_loop3A_266] : memref<16384xf32, #tpu.memory_space<vmem>>[vector<16xi32>], vector<16xf32>,
      %parallel_loop3A_282 = arith.mulf %parallel_loop3A_278, %parallel_loop3A_281 : vector<16xf32>
      %parallel_loop3A_283 = arith.constant 16 : i32
      %parallel_loop3A_284 = arith.muli %parallel_loop3A_256, %parallel_loop3A_283 : i32
      %parallel_loop3A_285 = arith.constant 1 : i32
      %parallel_loop3A_286 = arith.index_cast %parallel_loop3A_285 : i32 to index
      %parallel_loop3A_287 = arith.index_cast %parallel_loop3A_284 : i32 to index
      %parallel_loop3A_288 = tpu.vector_load %arg9[%parallel_loop3A_286, %parallel_loop3A_287] {strides = array<i32>} : memref<2x8192xf32, #tpu.memory_space<vmem>>, vector<16xf32>,
      tpu.vector_store %arg9[%parallel_loop3A_286, %parallel_loop3A_287], %parallel_loop3A_282 {strides = array<i32>} : memref<2x8192xf32, #tpu.memory_space<vmem>>, vector<16xf32>,
    } {sc.loop_unroll_factor = 8 : i64, sc.parallel_access}
    %add3A_132 = arith.constant 2 : i32
    %add3A_133 = arith.addi %mul3A_2, %add3A_132 : i32
    %dma_start3A_134 = arith.constant 0 : i32
    %dma_start3A_135 = tpu.memref_slice %arg4[%add3A_133, %dma_start3A_134] : memref<4096x8192xf32, #tpu.memory_space<hbm>> -> memref<2x8192xf32, #tpu.memory_space<hbm>>
    %dma_start3A_136 = arith.constant 0 : i32
    %dma_start3A_137 = tpu.memref_slice %arg4[%add3A_133, %dma_start3A_136] : memref<4096x8192xf32, #tpu.memory_space<hbm>> -> memref<2x8192xf32, #tpu.memory_space<hbm>>
    tpu.enqueue_dma source(%arg9 : memref<2x8192xf32, #tpu.memory_space<vmem>>) target(%dma_start3A_137 : memref<2x8192xf32, #tpu.memory_space<hbm>>) target_semaphore(%arg13 : memref<!tpu.dma_semaphore, #tpu.memory_space<semaphore_mem>>)
    %add3A_138 = arith.constant 6 : i32
    %add3A_139 = arith.addi %mul3A_2, %add3A_138 : i32
    %add3A_140 = arith.constant 1 : i32
    %add3A_141 = arith.addi %add3A_139, %add3A_140 : i32
    %dma_start3A_142 = arith.constant 0 : i32
    %dma_start3A_143 = tpu.memref_slice %arg7[%dma_start3A_142] : memref<32768xf32, #tpu.memory_space<vmem>> -> memref<16384xf32, #tpu.memory_space<vmem>>
    %dma_start3A_144 = arith.constant 0 : i32
    %dma_start3A_145 = tpu.memref_slice %arg2[%add3A_139, %dma_start3A_144] : memref<4096x16384xf32, #tpu.memory_space<hbm>> -> memref<1x16384xf32, #tpu.memory_space<hbm>>
    %dma_start3A_146 = tpu.memref_squeeze %dma_start3A_145 : memref<1x16384xf32, #tpu.memory_space<hbm>> -> memref<16384xf32, #tpu.memory_space<hbm>>
    %dma_start3A_147 = arith.constant 0 : i32
    %dma_start3A_148 = tpu.memref_slice %arg7[%dma_start3A_147] : memref<32768xf32, #tpu.memory_space<vmem>> -> memref<16384xf32, #tpu.memory_space<vmem>>
    %dma_start3A_149 = arith.constant 0 : i32
    %dma_start3A_150 = tpu.memref_slice %arg2[%add3A_139, %dma_start3A_149] : memref<4096x16384xf32, #tpu.memory_space<hbm>> -> memref<1x16384xf32, #tpu.memory_space<hbm>>
    %dma_start3A_151 = tpu.memref_squeeze %dma_start3A_150 : memref<1x16384xf32, #tpu.memory_space<hbm>> -> memref<16384xf32, #tpu.memory_space<hbm>>
    tpu.enqueue_dma source(%dma_start3A_151 : memref<16384xf32, #tpu.memory_space<hbm>>) target(%dma_start3A_148 : memref<16384xf32, #tpu.memory_space<vmem>>) target_semaphore(%arg11 : memref<!tpu.dma_semaphore, #tpu.memory_space<semaphore_mem>>)
    %dma_start3A_152 = arith.constant 16384 : i32
    %dma_start3A_153 = tpu.memref_slice %arg7[%dma_start3A_152] : memref<32768xf32, #tpu.memory_space<vmem>> -> memref<16384xf32, #tpu.memory_space<vmem>>
    %dma_start3A_154 = arith.constant 0 : i32
    %dma_start3A_155 = tpu.memref_slice %arg2[%add3A_141, %dma_start3A_154] : memref<4096x16384xf32, #tpu.memory_space<hbm>> -> memref<1x16384xf32, #tpu.memory_space<hbm>>
    %dma_start3A_156 = tpu.memref_squeeze %dma_start3A_155 : memref<1x16384xf32, #tpu.memory_space<hbm>> -> memref<16384xf32, #tpu.memory_space<hbm>>
    %dma_start3A_157 = arith.constant 16384 : i32
    %dma_start3A_158 = tpu.memref_slice %arg7[%dma_start3A_157] : memref<32768xf32, #tpu.memory_space<vmem>> -> memref<16384xf32, #tpu.memory_space<vmem>>
    %dma_start3A_159 = arith.constant 0 : i32
    %dma_start3A_160 = tpu.memref_slice %arg2[%add3A_141, %dma_start3A_159] : memref<4096x16384xf32, #tpu.memory_space<hbm>> -> memref<1x16384xf32, #tpu.memory_space<hbm>>
    %dma_start3A_161 = tpu.memref_squeeze %dma_start3A_160 : memref<1x16384xf32, #tpu.memory_space<hbm>> -> memref<16384xf32, #tpu.memory_space<hbm>>
    tpu.enqueue_dma source(%dma_start3A_161 : memref<16384xf32, #tpu.memory_space<hbm>>) target(%dma_start3A_158 : memref<16384xf32, #tpu.memory_space<vmem>>) target_semaphore(%arg11 : memref<!tpu.dma_semaphore, #tpu.memory_space<semaphore_mem>>)
    %scan3A = arith.constant 1 : i32
    %scan3A_162 = arith.constant 30 : i32
    %scan3A_163 = arith.addi %scan3A, %scan3A_162 : i32
    %scan3A_164 = arith.constant 1 : i32
    scf.for %scan3A_256 = %scan3A to %scan3A_163 step %scan3A_164  : i32 {
      %mul3A_257 = arith.constant 2 : i32
      %mul3A_258 = arith.muli %mul3A_257, %scan3A_256 : i32
      %add3A_259 = arith.constant 0 : i32
      %add3A_260 = arith.addi %mul3A_258, %add3A_259 : i32
      %mul3A_261 = arith.constant 2 : i32
      %mul3A_262 = arith.muli %mul3A_261, %add3A_260 : i32
      %add3A_263 = arith.addi %mul3A_2, %mul3A_262 : i32
      %add3A_264 = arith.constant 1 : i32
      %add3A_265 = arith.addi %add3A_263, %add3A_264 : i32
      %dma_wait3A_266 = arith.constant 0 : i32
      %dma_wait3A_267 = tpu.memref_slice %arg6[%dma_wait3A_266] : memref<32768xf32, #tpu.memory_space<vmem>> -> memref<16384xf32, #tpu.memory_space<vmem>>
      %dma_wait3A_268 = arith.constant 0 : i32
      %dma_wait3A_269 = tpu.memref_slice %arg2[%add3A_263, %dma_wait3A_268] : memref<4096x16384xf32, #tpu.memory_space<hbm>> -> memref<1x16384xf32, #tpu.memory_space<hbm>>
      %dma_wait3A_270 = tpu.memref_squeeze %dma_wait3A_269 : memref<1x16384xf32, #tpu.memory_space<hbm>> -> memref<16384xf32, #tpu.memory_space<hbm>>
      %dma_wait3A_271 = arith.constant 0 : i32
      %dma_wait3A_272 = tpu.memref_slice %arg6[%dma_wait3A_271] : memref<32768xf32, #tpu.memory_space<vmem>> -> memref<16384xf32, #tpu.memory_space<vmem>>
      %dma_wait3A_273 = arith.constant 0 : i32
      %dma_wait3A_274 = tpu.memref_slice %arg2[%add3A_263, %dma_wait3A_273] : memref<4096x16384xf32, #tpu.memory_space<hbm>> -> memref<1x16384xf32, #tpu.memory_space<hbm>>
      %dma_wait3A_275 = tpu.memref_squeeze %dma_wait3A_274 : memref<1x16384xf32, #tpu.memory_space<hbm>> -> memref<16384xf32, #tpu.memory_space<hbm>>
      tpu.wait_dma2 semaphore(%arg10 : memref<!tpu.dma_semaphore, #tpu.memory_space<semaphore_mem>>) src(%dma_wait3A_275 : memref<16384xf32, #tpu.memory_space<hbm>>) dst(%dma_wait3A_272 : memref<16384xf32, #tpu.memory_space<vmem>>)
      %dma_wait3A_276 = arith.constant 16384 : i32
      %dma_wait3A_277 = tpu.memref_slice %arg6[%dma_wait3A_276] : memref<32768xf32, #tpu.memory_space<vmem>> -> memref<16384xf32, #tpu.memory_space<vmem>>
      %dma_wait3A_278 = arith.constant 0 : i32
      %dma_wait3A_279 = tpu.memref_slice %arg2[%add3A_265, %dma_wait3A_278] : memref<4096x16384xf32, #tpu.memory_space<hbm>> -> memref<1x16384xf32, #tpu.memory_space<hbm>>
      %dma_wait3A_280 = tpu.memref_squeeze %dma_wait3A_279 : memref<1x16384xf32, #tpu.memory_space<hbm>> -> memref<16384xf32, #tpu.memory_space<hbm>>
      %dma_wait3A_281 = arith.constant 16384 : i32
      %dma_wait3A_282 = tpu.memref_slice %arg6[%dma_wait3A_281] : memref<32768xf32, #tpu.memory_space<vmem>> -> memref<16384xf32, #tpu.memory_space<vmem>>
      %dma_wait3A_283 = arith.constant 0 : i32
      %dma_wait3A_284 = tpu.memref_slice %arg2[%add3A_265, %dma_wait3A_283] : memref<4096x16384xf32, #tpu.memory_space<hbm>> -> memref<1x16384xf32, #tpu.memory_space<hbm>>
      %dma_wait3A_285 = tpu.memref_squeeze %dma_wait3A_284 : memref<1x16384xf32, #tpu.memory_space<hbm>> -> memref<16384xf32, #tpu.memory_space<hbm>>
      tpu.wait_dma2 semaphore(%arg10 : memref<!tpu.dma_semaphore, #tpu.memory_space<semaphore_mem>>) src(%dma_wait3A_285 : memref<16384xf32, #tpu.memory_space<hbm>>) dst(%dma_wait3A_282 : memref<16384xf32, #tpu.memory_space<vmem>>)
      %sub3A = arith.constant 2 : i32
      %sub3A_286 = arith.subi %add3A_260, %sub3A : i32
      %mul3A_287 = arith.constant 2 : i32
      %mul3A_288 = arith.muli %mul3A_287, %sub3A_286 : i32
      %add3A_289 = arith.addi %mul3A_2, %mul3A_288 : i32
      %dma_wait3A_290 = arith.constant 0 : i32
      %dma_wait3A_291 = tpu.memref_slice %arg4[%add3A_289, %dma_wait3A_290] : memref<4096x8192xf32, #tpu.memory_space<hbm>> -> memref<2x8192xf32, #tpu.memory_space<hbm>>
      %dma_wait3A_292 = arith.constant 0 : i32
      %dma_wait3A_293 = tpu.memref_slice %arg4[%add3A_289, %dma_wait3A_292] : memref<4096x8192xf32, #tpu.memory_space<hbm>> -> memref<2x8192xf32, #tpu.memory_space<hbm>>
      tpu.wait_dma2 semaphore(%arg12 : memref<!tpu.dma_semaphore, #tpu.memory_space<semaphore_mem>>) src(%arg8 : memref<2x8192xf32, #tpu.memory_space<vmem>>) dst(%dma_wait3A_293 : memref<2x8192xf32, #tpu.memory_space<hbm>>)
      %parallel_loop3A_294 = arith.constant 0 : i32
      %parallel_loop3A_295 = arith.constant 512 : i32
      %parallel_loop3A_296 = arith.constant 1 : i32
      scf.for %parallel_loop3A_406 = %parallel_loop3A_294 to %parallel_loop3A_295 step %parallel_loop3A_296  : i32 {
        %parallel_loop3A_407 = arith.constant 16 : i32
        %parallel_loop3A_408 = arith.muli %parallel_loop3A_406, %parallel_loop3A_407 : i32
        %parallel_loop3A_409 = arith.index_cast %parallel_loop3A_408 : i32 to index
        %parallel_loop3A_410 = tpu.vector_load %arg5[%parallel_loop3A_409] {strides = array<i32>} : memref<8192xi32, #tpu.memory_space<vmem>>, vector<16xi32>,
        %parallel_loop3A_411 = arith.constant 65535 : i32
        %parallel_loop3A_412 = vector.broadcast %parallel_loop3A_411 : i32 to vector<16xi32>
        %parallel_loop3A_413 = arith.andi %parallel_loop3A_410, %parallel_loop3A_412 : vector<16xi32>
        %parallel_loop3A_414 = arith.constant 16 : i32
        %parallel_loop3A_415 = vector.broadcast %parallel_loop3A_414 : i32 to vector<16xi32>
        %parallel_loop3A_416 = arith.shrsi %parallel_loop3A_410, %parallel_loop3A_415 : vector<16xi32>
        %parallel_loop3A_417 = tpu.vector_load_idx %arg6[%parallel_loop3A_413] : memref<32768xf32, #tpu.memory_space<vmem>>[vector<16xi32>], vector<16xf32>,
        %parallel_loop3A_418 = tpu.vector_load_idx %arg6[%parallel_loop3A_416] : memref<32768xf32, #tpu.memory_space<vmem>>[vector<16xi32>], vector<16xf32>,
        %parallel_loop3A_419 = arith.mulf %parallel_loop3A_417, %parallel_loop3A_418 : vector<16xf32>
        %parallel_loop3A_420 = arith.constant 16 : i32
        %parallel_loop3A_421 = arith.muli %parallel_loop3A_406, %parallel_loop3A_420 : i32
        %parallel_loop3A_422 = arith.constant 0 : i32
        %parallel_loop3A_423 = arith.index_cast %parallel_loop3A_422 : i32 to index
        %parallel_loop3A_424 = arith.index_cast %parallel_loop3A_421 : i32 to index
        %parallel_loop3A_425 = tpu.vector_load %arg8[%parallel_loop3A_423, %parallel_loop3A_424] {strides = array<i32>} : memref<2x8192xf32, #tpu.memory_space<vmem>>, vector<16xf32>,
        tpu.vector_store %arg8[%parallel_loop3A_423, %parallel_loop3A_424], %parallel_loop3A_419 {strides = array<i32>} : memref<2x8192xf32, #tpu.memory_space<vmem>>, vector<16xf32>,
        %parallel_loop3A_426 = arith.constant 16384 : i32
        %parallel_loop3A_427 = tpu.memref_slice %arg6[%parallel_loop3A_426] : memref<32768xf32, #tpu.memory_space<vmem>> -> memref<16384xf32, #tpu.memory_space<vmem>>
        %parallel_loop3A_428 = tpu.vector_load_idx %parallel_loop3A_427[%parallel_loop3A_413] : memref<16384xf32, #tpu.memory_space<vmem>>[vector<16xi32>], vector<16xf32>,
        %parallel_loop3A_429 = arith.constant 16384 : i32
        %parallel_loop3A_430 = tpu.memref_slice %arg6[%parallel_loop3A_429] : memref<32768xf32, #tpu.memory_space<vmem>> -> memref<16384xf32, #tpu.memory_space<vmem>>
        %parallel_loop3A_431 = tpu.vector_load_idx %parallel_loop3A_430[%parallel_loop3A_416] : memref<16384xf32, #tpu.memory_space<vmem>>[vector<16xi32>], vector<16xf32>,
        %parallel_loop3A_432 = arith.mulf %parallel_loop3A_428, %parallel_loop3A_431 : vector<16xf32>
        %parallel_loop3A_433 = arith.constant 16 : i32
        %parallel_loop3A_434 = arith.muli %parallel_loop3A_406, %parallel_loop3A_433 : i32
        %parallel_loop3A_435 = arith.constant 1 : i32
        %parallel_loop3A_436 = arith.index_cast %parallel_loop3A_435 : i32 to index
        %parallel_loop3A_437 = arith.index_cast %parallel_loop3A_434 : i32 to index
        %parallel_loop3A_438 = tpu.vector_load %arg8[%parallel_loop3A_436, %parallel_loop3A_437] {strides = array<i32>} : memref<2x8192xf32, #tpu.memory_space<vmem>>, vector<16xf32>,
        tpu.vector_store %arg8[%parallel_loop3A_436, %parallel_loop3A_437], %parallel_loop3A_432 {strides = array<i32>} : memref<2x8192xf32, #tpu.memory_space<vmem>>, vector<16xf32>,
      } {sc.loop_unroll_factor = 8 : i64, sc.parallel_access}
      %mul3A_297 = arith.constant 2 : i32
      %mul3A_298 = arith.muli %mul3A_297, %add3A_260 : i32
      %add3A_299 = arith.addi %mul3A_2, %mul3A_298 : i32
      %dma_start3A_300 = arith.constant 0 : i32
      %dma_start3A_301 = tpu.memref_slice %arg4[%add3A_299, %dma_start3A_300] : memref<4096x8192xf32, #tpu.memory_space<hbm>> -> memref<2x8192xf32, #tpu.memory_space<hbm>>
      %dma_start3A_302 = arith.constant 0 : i32
      %dma_start3A_303 = tpu.memref_slice %arg4[%add3A_299, %dma_start3A_302] : memref<4096x8192xf32, #tpu.memory_space<hbm>> -> memref<2x8192xf32, #tpu.memory_space<hbm>>
      tpu.enqueue_dma source(%arg8 : memref<2x8192xf32, #tpu.memory_space<vmem>>) target(%dma_start3A_303 : memref<2x8192xf32, #tpu.memory_space<hbm>>) target_semaphore(%arg12 : memref<!tpu.dma_semaphore, #tpu.memory_space<semaphore_mem>>)
      %add3A_304 = arith.constant 2 : i32
      %add3A_305 = arith.addi %add3A_260, %add3A_304 : i32
      %mul3A_306 = arith.constant 2 : i32
      %mul3A_307 = arith.muli %mul3A_306, %add3A_305 : i32
      %add3A_308 = arith.addi %mul3A_2, %mul3A_307 : i32
      %add3A_309 = arith.constant 1 : i32
      %add3A_310 = arith.addi %add3A_308, %add3A_309 : i32
      %dma_start3A_311 = arith.constant 0 : i32
      %dma_start3A_312 = tpu.memref_slice %arg6[%dma_start3A_311] : memref<32768xf32, #tpu.memory_space<vmem>> -> memref<16384xf32, #tpu.memory_space<vmem>>
      %dma_start3A_313 = arith.constant 0 : i32
      %dma_start3A_314 = tpu.memref_slice %arg2[%add3A_308, %dma_start3A_313] : memref<4096x16384xf32, #tpu.memory_space<hbm>> -> memref<1x16384xf32, #tpu.memory_space<hbm>>
      %dma_start3A_315 = tpu.memref_squeeze %dma_start3A_314 : memref<1x16384xf32, #tpu.memory_space<hbm>> -> memref<16384xf32, #tpu.memory_space<hbm>>
      %dma_start3A_316 = arith.constant 0 : i32
      %dma_start3A_317 = tpu.memref_slice %arg6[%dma_start3A_316] : memref<32768xf32, #tpu.memory_space<vmem>> -> memref<16384xf32, #tpu.memory_space<vmem>>
      %dma_start3A_318 = arith.constant 0 : i32
      %dma_start3A_319 = tpu.memref_slice %arg2[%add3A_308, %dma_start3A_318] : memref<4096x16384xf32, #tpu.memory_space<hbm>> -> memref<1x16384xf32, #tpu.memory_space<hbm>>
      %dma_start3A_320 = tpu.memref_squeeze %dma_start3A_319 : memref<1x16384xf32, #tpu.memory_space<hbm>> -> memref<16384xf32, #tpu.memory_space<hbm>>
      tpu.enqueue_dma source(%dma_start3A_320 : memref<16384xf32, #tpu.memory_space<hbm>>) target(%dma_start3A_317 : memref<16384xf32, #tpu.memory_space<vmem>>) target_semaphore(%arg10 : memref<!tpu.dma_semaphore, #tpu.memory_space<semaphore_mem>>)
      %dma_start3A_321 = arith.constant 16384 : i32
      %dma_start3A_322 = tpu.memref_slice %arg6[%dma_start3A_321] : memref<32768xf32, #tpu.memory_space<vmem>> -> memref<16384xf32, #tpu.memory_space<vmem>>
      %dma_start3A_323 = arith.constant 0 : i32
      %dma_start3A_324 = tpu.memref_slice %arg2[%add3A_310, %dma_start3A_323] : memref<4096x16384xf32, #tpu.memory_space<hbm>> -> memref<1x16384xf32, #tpu.memory_space<hbm>>
      %dma_start3A_325 = tpu.memref_squeeze %dma_start3A_324 : memref<1x16384xf32, #tpu.memory_space<hbm>> -> memref<16384xf32, #tpu.memory_space<hbm>>
      %dma_start3A_326 = arith.constant 16384 : i32
      %dma_start3A_327 = tpu.memref_slice %arg6[%dma_start3A_326] : memref<32768xf32, #tpu.memory_space<vmem>> -> memref<16384xf32, #tpu.memory_space<vmem>>
      %dma_start3A_328 = arith.constant 0 : i32
      %dma_start3A_329 = tpu.memref_slice %arg2[%add3A_310, %dma_start3A_328] : memref<4096x16384xf32, #tpu.memory_space<hbm>> -> memref<1x16384xf32, #tpu.memory_space<hbm>>
      %dma_start3A_330 = tpu.memref_squeeze %dma_start3A_329 : memref<1x16384xf32, #tpu.memory_space<hbm>> -> memref<16384xf32, #tpu.memory_space<hbm>>
      tpu.enqueue_dma source(%dma_start3A_330 : memref<16384xf32, #tpu.memory_space<hbm>>) target(%dma_start3A_327 : memref<16384xf32, #tpu.memory_space<vmem>>) target_semaphore(%arg10 : memref<!tpu.dma_semaphore, #tpu.memory_space<semaphore_mem>>)
      %mul3A_331 = arith.constant 2 : i32
      %mul3A_332 = arith.muli %mul3A_331, %scan3A_256 : i32
      %add3A_333 = arith.constant 1 : i32
      %add3A_334 = arith.addi %mul3A_332, %add3A_333 : i32
      %mul3A_335 = arith.constant 2 : i32
      %mul3A_336 = arith.muli %mul3A_335, %add3A_334 : i32
      %add3A_337 = arith.addi %mul3A_2, %mul3A_336 : i32
      %add3A_338 = arith.constant 1 : i32
      %add3A_339 = arith.addi %add3A_337, %add3A_338 : i32
      %dma_wait3A_340 = arith.constant 0 : i32
      %dma_wait3A_341 = tpu.memref_slice %arg7[%dma_wait3A_340] : memref<32768xf32, #tpu.memory_space<vmem>> -> memref<16384xf32, #tpu.memory_space<vmem>>
      %dma_wait3A_342 = arith.constant 0 : i32
      %dma_wait3A_343 = tpu.memref_slice %arg2[%add3A_337, %dma_wait3A_342] : memref<4096x16384xf32, #tpu.memory_space<hbm>> -> memref<1x16384xf32, #tpu.memory_space<hbm>>
      %dma_wait3A_344 = tpu.memref_squeeze %dma_wait3A_343 : memref<1x16384xf32, #tpu.memory_space<hbm>> -> memref<16384xf32, #tpu.memory_space<hbm>>
      %dma_wait3A_345 = arith.constant 0 : i32
      %dma_wait3A_346 = tpu.memref_slice %arg7[%dma_wait3A_345] : memref<32768xf32, #tpu.memory_space<vmem>> -> memref<16384xf32, #tpu.memory_space<vmem>>
      %dma_wait3A_347 = arith.constant 0 : i32
      %dma_wait3A_348 = tpu.memref_slice %arg2[%add3A_337, %dma_wait3A_347] : memref<4096x16384xf32, #tpu.memory_space<hbm>> -> memref<1x16384xf32, #tpu.memory_space<hbm>>
      %dma_wait3A_349 = tpu.memref_squeeze %dma_wait3A_348 : memref<1x16384xf32, #tpu.memory_space<hbm>> -> memref<16384xf32, #tpu.memory_space<hbm>>
      tpu.wait_dma2 semaphore(%arg11 : memref<!tpu.dma_semaphore, #tpu.memory_space<semaphore_mem>>) src(%dma_wait3A_349 : memref<16384xf32, #tpu.memory_space<hbm>>) dst(%dma_wait3A_346 : memref<16384xf32, #tpu.memory_space<vmem>>)
      %dma_wait3A_350 = arith.constant 16384 : i32
      %dma_wait3A_351 = tpu.memref_slice %arg7[%dma_wait3A_350] : memref<32768xf32, #tpu.memory_space<vmem>> -> memref<16384xf32, #tpu.memory_space<vmem>>
      %dma_wait3A_352 = arith.constant 0 : i32
      %dma_wait3A_353 = tpu.memref_slice %arg2[%add3A_339, %dma_wait3A_352] : memref<4096x16384xf32, #tpu.memory_space<hbm>> -> memref<1x16384xf32, #tpu.memory_space<hbm>>
      %dma_wait3A_354 = tpu.memref_squeeze %dma_wait3A_353 : memref<1x16384xf32, #tpu.memory_space<hbm>> -> memref<16384xf32, #tpu.memory_space<hbm>>
      %dma_wait3A_355 = arith.constant 16384 : i32
      %dma_wait3A_356 = tpu.memref_slice %arg7[%dma_wait3A_355] : memref<32768xf32, #tpu.memory_space<vmem>> -> memref<16384xf32, #tpu.memory_space<vmem>>
      %dma_wait3A_357 = arith.constant 0 : i32
      %dma_wait3A_358 = tpu.memref_slice %arg2[%add3A_339, %dma_wait3A_357] : memref<4096x16384xf32, #tpu.memory_space<hbm>> -> memref<1x16384xf32, #tpu.memory_space<hbm>>
      %dma_wait3A_359 = tpu.memref_squeeze %dma_wait3A_358 : memref<1x16384xf32, #tpu.memory_space<hbm>> -> memref<16384xf32, #tpu.memory_space<hbm>>
      tpu.wait_dma2 semaphore(%arg11 : memref<!tpu.dma_semaphore, #tpu.memory_space<semaphore_mem>>) src(%dma_wait3A_359 : memref<16384xf32, #tpu.memory_space<hbm>>) dst(%dma_wait3A_356 : memref<16384xf32, #tpu.memory_space<vmem>>)
      %sub3A_360 = arith.constant 2 : i32
      %sub3A_361 = arith.subi %add3A_334, %sub3A_360 : i32
      %mul3A_362 = arith.constant 2 : i32
      %mul3A_363 = arith.muli %mul3A_362, %sub3A_361 : i32
      %add3A_364 = arith.addi %mul3A_2, %mul3A_363 : i32
      %dma_wait3A_365 = arith.constant 0 : i32
      %dma_wait3A_366 = tpu.memref_slice %arg4[%add3A_364, %dma_wait3A_365] : memref<4096x8192xf32, #tpu.memory_space<hbm>> -> memref<2x8192xf32, #tpu.memory_space<hbm>>
      %dma_wait3A_367 = arith.constant 0 : i32
      %dma_wait3A_368 = tpu.memref_slice %arg4[%add3A_364, %dma_wait3A_367] : memref<4096x8192xf32, #tpu.memory_space<hbm>> -> memref<2x8192xf32, #tpu.memory_space<hbm>>
      tpu.wait_dma2 semaphore(%arg13 : memref<!tpu.dma_semaphore, #tpu.memory_space<semaphore_mem>>) src(%arg9 : memref<2x8192xf32, #tpu.memory_space<vmem>>) dst(%dma_wait3A_368 : memref<2x8192xf32, #tpu.memory_space<hbm>>)
      %parallel_loop3A_369 = arith.constant 0 : i32
      %parallel_loop3A_370 = arith.constant 512 : i32
      %parallel_loop3A_371 = arith.constant 1 : i32
      scf.for %parallel_loop3A_406 = %parallel_loop3A_369 to %parallel_loop3A_370 step %parallel_loop3A_371  : i32 {
        %parallel_loop3A_407 = arith.constant 16 : i32
        %parallel_loop3A_408 = arith.muli %parallel_loop3A_406, %parallel_loop3A_407 : i32
        %parallel_loop3A_409 = arith.index_cast %parallel_loop3A_408 : i32 to index
        %parallel_loop3A_410 = tpu.vector_load %arg5[%parallel_loop3A_409] {strides = array<i32>} : memref<8192xi32, #tpu.memory_space<vmem>>, vector<16xi32>,
        %parallel_loop3A_411 = arith.constant 65535 : i32
        %parallel_loop3A_412 = vector.broadcast %parallel_loop3A_411 : i32 to vector<16xi32>
        %parallel_loop3A_413 = arith.andi %parallel_loop3A_410, %parallel_loop3A_412 : vector<16xi32>
        %parallel_loop3A_414 = arith.constant 16 : i32
        %parallel_loop3A_415 = vector.broadcast %parallel_loop3A_414 : i32 to vector<16xi32>
        %parallel_loop3A_416 = arith.shrsi %parallel_loop3A_410, %parallel_loop3A_415 : vector<16xi32>
        %parallel_loop3A_417 = tpu.vector_load_idx %arg7[%parallel_loop3A_413] : memref<32768xf32, #tpu.memory_space<vmem>>[vector<16xi32>], vector<16xf32>,
        %parallel_loop3A_418 = tpu.vector_load_idx %arg7[%parallel_loop3A_416] : memref<32768xf32, #tpu.memory_space<vmem>>[vector<16xi32>], vector<16xf32>,
        %parallel_loop3A_419 = arith.mulf %parallel_loop3A_417, %parallel_loop3A_418 : vector<16xf32>
        %parallel_loop3A_420 = arith.constant 16 : i32
        %parallel_loop3A_421 = arith.muli %parallel_loop3A_406, %parallel_loop3A_420 : i32
        %parallel_loop3A_422 = arith.constant 0 : i32
        %parallel_loop3A_423 = arith.index_cast %parallel_loop3A_422 : i32 to index
        %parallel_loop3A_424 = arith.index_cast %parallel_loop3A_421 : i32 to index
        %parallel_loop3A_425 = tpu.vector_load %arg9[%parallel_loop3A_423, %parallel_loop3A_424] {strides = array<i32>} : memref<2x8192xf32, #tpu.memory_space<vmem>>, vector<16xf32>,
        tpu.vector_store %arg9[%parallel_loop3A_423, %parallel_loop3A_424], %parallel_loop3A_419 {strides = array<i32>} : memref<2x8192xf32, #tpu.memory_space<vmem>>, vector<16xf32>,
        %parallel_loop3A_426 = arith.constant 16384 : i32
        %parallel_loop3A_427 = tpu.memref_slice %arg7[%parallel_loop3A_426] : memref<32768xf32, #tpu.memory_space<vmem>> -> memref<16384xf32, #tpu.memory_space<vmem>>
        %parallel_loop3A_428 = tpu.vector_load_idx %parallel_loop3A_427[%parallel_loop3A_413] : memref<16384xf32, #tpu.memory_space<vmem>>[vector<16xi32>], vector<16xf32>,
        %parallel_loop3A_429 = arith.constant 16384 : i32
        %parallel_loop3A_430 = tpu.memref_slice %arg7[%parallel_loop3A_429] : memref<32768xf32, #tpu.memory_space<vmem>> -> memref<16384xf32, #tpu.memory_space<vmem>>
        %parallel_loop3A_431 = tpu.vector_load_idx %parallel_loop3A_430[%parallel_loop3A_416] : memref<16384xf32, #tpu.memory_space<vmem>>[vector<16xi32>], vector<16xf32>,
        %parallel_loop3A_432 = arith.mulf %parallel_loop3A_428, %parallel_loop3A_431 : vector<16xf32>
        %parallel_loop3A_433 = arith.constant 16 : i32
        %parallel_loop3A_434 = arith.muli %parallel_loop3A_406, %parallel_loop3A_433 : i32
        %parallel_loop3A_435 = arith.constant 1 : i32
        %parallel_loop3A_436 = arith.index_cast %parallel_loop3A_435 : i32 to index
        %parallel_loop3A_437 = arith.index_cast %parallel_loop3A_434 : i32 to index
        %parallel_loop3A_438 = tpu.vector_load %arg9[%parallel_loop3A_436, %parallel_loop3A_437] {strides = array<i32>} : memref<2x8192xf32, #tpu.memory_space<vmem>>, vector<16xf32>,
        tpu.vector_store %arg9[%parallel_loop3A_436, %parallel_loop3A_437], %parallel_loop3A_432 {strides = array<i32>} : memref<2x8192xf32, #tpu.memory_space<vmem>>, vector<16xf32>,
      } {sc.loop_unroll_factor = 8 : i64, sc.parallel_access}
      %mul3A_372 = arith.constant 2 : i32
      %mul3A_373 = arith.muli %mul3A_372, %add3A_334 : i32
      %add3A_374 = arith.addi %mul3A_2, %mul3A_373 : i32
      %dma_start3A_375 = arith.constant 0 : i32
      %dma_start3A_376 = tpu.memref_slice %arg4[%add3A_374, %dma_start3A_375] : memref<4096x8192xf32, #tpu.memory_space<hbm>> -> memref<2x8192xf32, #tpu.memory_space<hbm>>
      %dma_start3A_377 = arith.constant 0 : i32
      %dma_start3A_378 = tpu.memref_slice %arg4[%add3A_374, %dma_start3A_377] : memref<4096x8192xf32, #tpu.memory_space<hbm>> -> memref<2x8192xf32, #tpu.memory_space<hbm>>
      tpu.enqueue_dma source(%arg9 : memref<2x8192xf32, #tpu.memory_space<vmem>>) target(%dma_start3A_378 : memref<2x8192xf32, #tpu.memory_space<hbm>>) target_semaphore(%arg13 : memref<!tpu.dma_semaphore, #tpu.memory_space<semaphore_mem>>)
      %add3A_379 = arith.constant 2 : i32
      %add3A_380 = arith.addi %add3A_334, %add3A_379 : i32
      %mul3A_381 = arith.constant 2 : i32
      %mul3A_382 = arith.muli %mul3A_381, %add3A_380 : i32
      %add3A_383 = arith.addi %mul3A_2, %mul3A_382 : i32
      %add3A_384 = arith.constant 1 : i32
      %add3A_385 = arith.addi %add3A_383, %add3A_384 : i32
      %dma_start3A_386 = arith.constant 0 : i32
      %dma_start3A_387 = tpu.memref_slice %arg7[%dma_start3A_386] : memref<32768xf32, #tpu.memory_space<vmem>> -> memref<16384xf32, #tpu.memory_space<vmem>>
      %dma_start3A_388 = arith.constant 0 : i32
      %dma_start3A_389 = tpu.memref_slice %arg2[%add3A_383, %dma_start3A_388] : memref<4096x16384xf32, #tpu.memory_space<hbm>> -> memref<1x16384xf32, #tpu.memory_space<hbm>>
      %dma_start3A_390 = tpu.memref_squeeze %dma_start3A_389 : memref<1x16384xf32, #tpu.memory_space<hbm>> -> memref<16384xf32, #tpu.memory_space<hbm>>
      %dma_start3A_391 = arith.constant 0 : i32
      %dma_start3A_392 = tpu.memref_slice %arg7[%dma_start3A_391] : memref<32768xf32, #tpu.memory_space<vmem>> -> memref<16384xf32, #tpu.memory_space<vmem>>
      %dma_start3A_393 = arith.constant 0 : i32
      %dma_start3A_394 = tpu.memref_slice %arg2[%add3A_383, %dma_start3A_393] : memref<4096x16384xf32, #tpu.memory_space<hbm>> -> memref<1x16384xf32, #tpu.memory_space<hbm>>
      %dma_start3A_395 = tpu.memref_squeeze %dma_start3A_394 : memref<1x16384xf32, #tpu.memory_space<hbm>> -> memref<16384xf32, #tpu.memory_space<hbm>>
      tpu.enqueue_dma source(%dma_start3A_395 : memref<16384xf32, #tpu.memory_space<hbm>>) target(%dma_start3A_392 : memref<16384xf32, #tpu.memory_space<vmem>>) target_semaphore(%arg11 : memref<!tpu.dma_semaphore, #tpu.memory_space<semaphore_mem>>)
      %dma_start3A_396 = arith.constant 16384 : i32
      %dma_start3A_397 = tpu.memref_slice %arg7[%dma_start3A_396] : memref<32768xf32, #tpu.memory_space<vmem>> -> memref<16384xf32, #tpu.memory_space<vmem>>
      %dma_start3A_398 = arith.constant 0 : i32
      %dma_start3A_399 = tpu.memref_slice %arg2[%add3A_385, %dma_start3A_398] : memref<4096x16384xf32, #tpu.memory_space<hbm>> -> memref<1x16384xf32, #tpu.memory_space<hbm>>
      %dma_start3A_400 = tpu.memref_squeeze %dma_start3A_399 : memref<1x16384xf32, #tpu.memory_space<hbm>> -> memref<16384xf32, #tpu.memory_space<hbm>>
      %dma_start3A_401 = arith.constant 16384 : i32
      %dma_start3A_402 = tpu.memref_slice %arg7[%dma_start3A_401] : memref<32768xf32, #tpu.memory_space<vmem>> -> memref<16384xf32, #tpu.memory_space<vmem>>
      %dma_start3A_403 = arith.constant 0 : i32
      %dma_start3A_404 = tpu.memref_slice %arg2[%add3A_385, %dma_start3A_403] : memref<4096x16384xf32, #tpu.memory_space<hbm>> -> memref<1x16384xf32, #tpu.memory_space<hbm>>
      %dma_start3A_405 = tpu.memref_squeeze %dma_start3A_404 : memref<1x16384xf32, #tpu.memory_space<hbm>> -> memref<16384xf32, #tpu.memory_space<hbm>>
      tpu.enqueue_dma source(%dma_start3A_405 : memref<16384xf32, #tpu.memory_space<hbm>>) target(%dma_start3A_402 : memref<16384xf32, #tpu.memory_space<vmem>>) target_semaphore(%arg11 : memref<!tpu.dma_semaphore, #tpu.memory_space<semaphore_mem>>)
    }
    %scan3A_165 = arith.constant 30 : i32
    %add3A_166 = arith.constant 124 : i32
    %add3A_167 = arith.addi %mul3A_2, %add3A_166 : i32
    %add3A_168 = arith.constant 1 : i32
    %add3A_169 = arith.addi %add3A_167, %add3A_168 : i32
    %dma_wait3A_170 = arith.constant 0 : i32
    %dma_wait3A_171 = tpu.memref_slice %arg6[%dma_wait3A_170] : memref<32768xf32, #tpu.memory_space<vmem>> -> memref<16384xf32, #tpu.memory_space<vmem>>
    %dma_wait3A_172 = arith.constant 0 : i32
    %dma_wait3A_173 = tpu.memref_slice %arg2[%add3A_167, %dma_wait3A_172] : memref<4096x16384xf32, #tpu.memory_space<hbm>> -> memref<1x16384xf32, #tpu.memory_space<hbm>>
    %dma_wait3A_174 = tpu.memref_squeeze %dma_wait3A_173 : memref<1x16384xf32, #tpu.memory_space<hbm>> -> memref<16384xf32, #tpu.memory_space<hbm>>
    %dma_wait3A_175 = arith.constant 0 : i32
    %dma_wait3A_176 = tpu.memref_slice %arg6[%dma_wait3A_175] : memref<32768xf32, #tpu.memory_space<vmem>> -> memref<16384xf32, #tpu.memory_space<vmem>>
    %dma_wait3A_177 = arith.constant 0 : i32
    %dma_wait3A_178 = tpu.memref_slice %arg2[%add3A_167, %dma_wait3A_177] : memref<4096x16384xf32, #tpu.memory_space<hbm>> -> memref<1x16384xf32, #tpu.memory_space<hbm>>
    %dma_wait3A_179 = tpu.memref_squeeze %dma_wait3A_178 : memref<1x16384xf32, #tpu.memory_space<hbm>> -> memref<16384xf32, #tpu.memory_space<hbm>>
    tpu.wait_dma2 semaphore(%arg10 : memref<!tpu.dma_semaphore, #tpu.memory_space<semaphore_mem>>) src(%dma_wait3A_179 : memref<16384xf32, #tpu.memory_space<hbm>>) dst(%dma_wait3A_176 : memref<16384xf32, #tpu.memory_space<vmem>>)
    %dma_wait3A_180 = arith.constant 16384 : i32
    %dma_wait3A_181 = tpu.memref_slice %arg6[%dma_wait3A_180] : memref<32768xf32, #tpu.memory_space<vmem>> -> memref<16384xf32, #tpu.memory_space<vmem>>
    %dma_wait3A_182 = arith.constant 0 : i32
    %dma_wait3A_183 = tpu.memref_slice %arg2[%add3A_169, %dma_wait3A_182] : memref<4096x16384xf32, #tpu.memory_space<hbm>> -> memref<1x16384xf32, #tpu.memory_space<hbm>>
    %dma_wait3A_184 = tpu.memref_squeeze %dma_wait3A_183 : memref<1x16384xf32, #tpu.memory_space<hbm>> -> memref<16384xf32, #tpu.memory_space<hbm>>
    %dma_wait3A_185 = arith.constant 16384 : i32
    %dma_wait3A_186 = tpu.memref_slice %arg6[%dma_wait3A_185] : memref<32768xf32, #tpu.memory_space<vmem>> -> memref<16384xf32, #tpu.memory_space<vmem>>
    %dma_wait3A_187 = arith.constant 0 : i32
    %dma_wait3A_188 = tpu.memref_slice %arg2[%add3A_169, %dma_wait3A_187] : memref<4096x16384xf32, #tpu.memory_space<hbm>> -> memref<1x16384xf32, #tpu.memory_space<hbm>>
    %dma_wait3A_189 = tpu.memref_squeeze %dma_wait3A_188 : memref<1x16384xf32, #tpu.memory_space<hbm>> -> memref<16384xf32, #tpu.memory_space<hbm>>
    tpu.wait_dma2 semaphore(%arg10 : memref<!tpu.dma_semaphore, #tpu.memory_space<semaphore_mem>>) src(%dma_wait3A_189 : memref<16384xf32, #tpu.memory_space<hbm>>) dst(%dma_wait3A_186 : memref<16384xf32, #tpu.memory_space<vmem>>)
    %add3A_190 = arith.constant 120 : i32
    %add3A_191 = arith.addi %mul3A_2, %add3A_190 : i32
    %dma_wait3A_192 = arith.constant 0 : i32
    %dma_wait3A_193 = tpu.memref_slice %arg4[%add3A_191, %dma_wait3A_192] : memref<4096x8192xf32, #tpu.memory_space<hbm>> -> memref<2x8192xf32, #tpu.memory_space<hbm>>
    %dma_wait3A_194 = arith.constant 0 : i32
    %dma_wait3A_195 = tpu.memref_slice %arg4[%add3A_191, %dma_wait3A_194] : memref<4096x8192xf32, #tpu.memory_space<hbm>> -> memref<2x8192xf32, #tpu.memory_space<hbm>>
    tpu.wait_dma2 semaphore(%arg12 : memref<!tpu.dma_semaphore, #tpu.memory_space<semaphore_mem>>) src(%arg8 : memref<2x8192xf32, #tpu.memory_space<vmem>>) dst(%dma_wait3A_195 : memref<2x8192xf32, #tpu.memory_space<hbm>>)
    %parallel_loop3A_196 = arith.constant 0 : i32
    %parallel_loop3A_197 = arith.constant 512 : i32
    %parallel_loop3A_198 = arith.constant 1 : i32
    scf.for %parallel_loop3A_256 = %parallel_loop3A_196 to %parallel_loop3A_197 step %parallel_loop3A_198  : i32 {
      %parallel_loop3A_257 = arith.constant 16 : i32
      %parallel_loop3A_258 = arith.muli %parallel_loop3A_256, %parallel_loop3A_257 : i32
      %parallel_loop3A_259 = arith.index_cast %parallel_loop3A_258 : i32 to index
      %parallel_loop3A_260 = tpu.vector_load %arg5[%parallel_loop3A_259] {strides = array<i32>} : memref<8192xi32, #tpu.memory_space<vmem>>, vector<16xi32>,
      %parallel_loop3A_261 = arith.constant 65535 : i32
      %parallel_loop3A_262 = vector.broadcast %parallel_loop3A_261 : i32 to vector<16xi32>
      %parallel_loop3A_263 = arith.andi %parallel_loop3A_260, %parallel_loop3A_262 : vector<16xi32>
      %parallel_loop3A_264 = arith.constant 16 : i32
      %parallel_loop3A_265 = vector.broadcast %parallel_loop3A_264 : i32 to vector<16xi32>
      %parallel_loop3A_266 = arith.shrsi %parallel_loop3A_260, %parallel_loop3A_265 : vector<16xi32>
      %parallel_loop3A_267 = tpu.vector_load_idx %arg6[%parallel_loop3A_263] : memref<32768xf32, #tpu.memory_space<vmem>>[vector<16xi32>], vector<16xf32>,
      %parallel_loop3A_268 = tpu.vector_load_idx %arg6[%parallel_loop3A_266] : memref<32768xf32, #tpu.memory_space<vmem>>[vector<16xi32>], vector<16xf32>,
      %parallel_loop3A_269 = arith.mulf %parallel_loop3A_267, %parallel_loop3A_268 : vector<16xf32>
      %parallel_loop3A_270 = arith.constant 16 : i32
      %parallel_loop3A_271 = arith.muli %parallel_loop3A_256, %parallel_loop3A_270 : i32
      %parallel_loop3A_272 = arith.constant 0 : i32
      %parallel_loop3A_273 = arith.index_cast %parallel_loop3A_272 : i32 to index
      %parallel_loop3A_274 = arith.index_cast %parallel_loop3A_271 : i32 to index
      %parallel_loop3A_275 = tpu.vector_load %arg8[%parallel_loop3A_273, %parallel_loop3A_274] {strides = array<i32>} : memref<2x8192xf32, #tpu.memory_space<vmem>>, vector<16xf32>,
      tpu.vector_store %arg8[%parallel_loop3A_273, %parallel_loop3A_274], %parallel_loop3A_269 {strides = array<i32>} : memref<2x8192xf32, #tpu.memory_space<vmem>>, vector<16xf32>,
      %parallel_loop3A_276 = arith.constant 16384 : i32
      %parallel_loop3A_277 = tpu.memref_slice %arg6[%parallel_loop3A_276] : memref<32768xf32, #tpu.memory_space<vmem>> -> memref<16384xf32, #tpu.memory_space<vmem>>
      %parallel_loop3A_278 = tpu.vector_load_idx %parallel_loop3A_277[%parallel_loop3A_263] : memref<16384xf32, #tpu.memory_space<vmem>>[vector<16xi32>], vector<16xf32>,
      %parallel_loop3A_279 = arith.constant 16384 : i32
      %parallel_loop3A_280 = tpu.memref_slice %arg6[%parallel_loop3A_279] : memref<32768xf32, #tpu.memory_space<vmem>> -> memref<16384xf32, #tpu.memory_space<vmem>>
      %parallel_loop3A_281 = tpu.vector_load_idx %parallel_loop3A_280[%parallel_loop3A_266] : memref<16384xf32, #tpu.memory_space<vmem>>[vector<16xi32>], vector<16xf32>,
      %parallel_loop3A_282 = arith.mulf %parallel_loop3A_278, %parallel_loop3A_281 : vector<16xf32>
      %parallel_loop3A_283 = arith.constant 16 : i32
      %parallel_loop3A_284 = arith.muli %parallel_loop3A_256, %parallel_loop3A_283 : i32
      %parallel_loop3A_285 = arith.constant 1 : i32
      %parallel_loop3A_286 = arith.index_cast %parallel_loop3A_285 : i32 to index
      %parallel_loop3A_287 = arith.index_cast %parallel_loop3A_284 : i32 to index
      %parallel_loop3A_288 = tpu.vector_load %arg8[%parallel_loop3A_286, %parallel_loop3A_287] {strides = array<i32>} : memref<2x8192xf32, #tpu.memory_space<vmem>>, vector<16xf32>,
      tpu.vector_store %arg8[%parallel_loop3A_286, %parallel_loop3A_287], %parallel_loop3A_282 {strides = array<i32>} : memref<2x8192xf32, #tpu.memory_space<vmem>>, vector<16xf32>,
    } {sc.loop_unroll_factor = 8 : i64, sc.parallel_access}
    %add3A_199 = arith.constant 124 : i32
    %add3A_200 = arith.addi %mul3A_2, %add3A_199 : i32
    %dma_start3A_201 = arith.constant 0 : i32
    %dma_start3A_202 = tpu.memref_slice %arg4[%add3A_200, %dma_start3A_201] : memref<4096x8192xf32, #tpu.memory_space<hbm>> -> memref<2x8192xf32, #tpu.memory_space<hbm>>
    %dma_start3A_203 = arith.constant 0 : i32
    %dma_start3A_204 = tpu.memref_slice %arg4[%add3A_200, %dma_start3A_203] : memref<4096x8192xf32, #tpu.memory_space<hbm>> -> memref<2x8192xf32, #tpu.memory_space<hbm>>
    tpu.enqueue_dma source(%arg8 : memref<2x8192xf32, #tpu.memory_space<vmem>>) target(%dma_start3A_204 : memref<2x8192xf32, #tpu.memory_space<hbm>>) target_semaphore(%arg12 : memref<!tpu.dma_semaphore, #tpu.memory_space<semaphore_mem>>)
    %add3A_205 = arith.constant 126 : i32
    %add3A_206 = arith.addi %mul3A_2, %add3A_205 : i32
    %add3A_207 = arith.constant 1 : i32
    %add3A_208 = arith.addi %add3A_206, %add3A_207 : i32
    %dma_wait3A_209 = arith.constant 0 : i32
    %dma_wait3A_210 = tpu.memref_slice %arg7[%dma_wait3A_209] : memref<32768xf32, #tpu.memory_space<vmem>> -> memref<16384xf32, #tpu.memory_space<vmem>>
    %dma_wait3A_211 = arith.constant 0 : i32
    %dma_wait3A_212 = tpu.memref_slice %arg2[%add3A_206, %dma_wait3A_211] : memref<4096x16384xf32, #tpu.memory_space<hbm>> -> memref<1x16384xf32, #tpu.memory_space<hbm>>
    %dma_wait3A_213 = tpu.memref_squeeze %dma_wait3A_212 : memref<1x16384xf32, #tpu.memory_space<hbm>> -> memref<16384xf32, #tpu.memory_space<hbm>>
    %dma_wait3A_214 = arith.constant 0 : i32
    %dma_wait3A_215 = tpu.memref_slice %arg7[%dma_wait3A_214] : memref<32768xf32, #tpu.memory_space<vmem>> -> memref<16384xf32, #tpu.memory_space<vmem>>
    %dma_wait3A_216 = arith.constant 0 : i32
    %dma_wait3A_217 = tpu.memref_slice %arg2[%add3A_206, %dma_wait3A_216] : memref<4096x16384xf32, #tpu.memory_space<hbm>> -> memref<1x16384xf32, #tpu.memory_space<hbm>>
    %dma_wait3A_218 = tpu.memref_squeeze %dma_wait3A_217 : memref<1x16384xf32, #tpu.memory_space<hbm>> -> memref<16384xf32, #tpu.memory_space<hbm>>
    tpu.wait_dma2 semaphore(%arg11 : memref<!tpu.dma_semaphore, #tpu.memory_space<semaphore_mem>>) src(%dma_wait3A_218 : memref<16384xf32, #tpu.memory_space<hbm>>) dst(%dma_wait3A_215 : memref<16384xf32, #tpu.memory_space<vmem>>)
    %dma_wait3A_219 = arith.constant 16384 : i32
    %dma_wait3A_220 = tpu.memref_slice %arg7[%dma_wait3A_219] : memref<32768xf32, #tpu.memory_space<vmem>> -> memref<16384xf32, #tpu.memory_space<vmem>>
    %dma_wait3A_221 = arith.constant 0 : i32
    %dma_wait3A_222 = tpu.memref_slice %arg2[%add3A_208, %dma_wait3A_221] : memref<4096x16384xf32, #tpu.memory_space<hbm>> -> memref<1x16384xf32, #tpu.memory_space<hbm>>
    %dma_wait3A_223 = tpu.memref_squeeze %dma_wait3A_222 : memref<1x16384xf32, #tpu.memory_space<hbm>> -> memref<16384xf32, #tpu.memory_space<hbm>>
    %dma_wait3A_224 = arith.constant 16384 : i32
    %dma_wait3A_225 = tpu.memref_slice %arg7[%dma_wait3A_224] : memref<32768xf32, #tpu.memory_space<vmem>> -> memref<16384xf32, #tpu.memory_space<vmem>>
    %dma_wait3A_226 = arith.constant 0 : i32
    %dma_wait3A_227 = tpu.memref_slice %arg2[%add3A_208, %dma_wait3A_226] : memref<4096x16384xf32, #tpu.memory_space<hbm>> -> memref<1x16384xf32, #tpu.memory_space<hbm>>
    %dma_wait3A_228 = tpu.memref_squeeze %dma_wait3A_227 : memref<1x16384xf32, #tpu.memory_space<hbm>> -> memref<16384xf32, #tpu.memory_space<hbm>>
    tpu.wait_dma2 semaphore(%arg11 : memref<!tpu.dma_semaphore, #tpu.memory_space<semaphore_mem>>) src(%dma_wait3A_228 : memref<16384xf32, #tpu.memory_space<hbm>>) dst(%dma_wait3A_225 : memref<16384xf32, #tpu.memory_space<vmem>>)
    %add3A_229 = arith.constant 122 : i32
    %add3A_230 = arith.addi %mul3A_2, %add3A_229 : i32
    %dma_wait3A_231 = arith.constant 0 : i32
    %dma_wait3A_232 = tpu.memref_slice %arg4[%add3A_230, %dma_wait3A_231] : memref<4096x8192xf32, #tpu.memory_space<hbm>> -> memref<2x8192xf32, #tpu.memory_space<hbm>>
    %dma_wait3A_233 = arith.constant 0 : i32
    %dma_wait3A_234 = tpu.memref_slice %arg4[%add3A_230, %dma_wait3A_233] : memref<4096x8192xf32, #tpu.memory_space<hbm>> -> memref<2x8192xf32, #tpu.memory_space<hbm>>
    tpu.wait_dma2 semaphore(%arg13 : memref<!tpu.dma_semaphore, #tpu.memory_space<semaphore_mem>>) src(%arg9 : memref<2x8192xf32, #tpu.memory_space<vmem>>) dst(%dma_wait3A_234 : memref<2x8192xf32, #tpu.memory_space<hbm>>)
    %parallel_loop3A_235 = arith.constant 0 : i32
    %parallel_loop3A_236 = arith.constant 512 : i32
    %parallel_loop3A_237 = arith.constant 1 : i32
    scf.for %parallel_loop3A_256 = %parallel_loop3A_235 to %parallel_loop3A_236 step %parallel_loop3A_237  : i32 {
      %parallel_loop3A_257 = arith.constant 16 : i32
      %parallel_loop3A_258 = arith.muli %parallel_loop3A_256, %parallel_loop3A_257 : i32
      %parallel_loop3A_259 = arith.index_cast %parallel_loop3A_258 : i32 to index
      %parallel_loop3A_260 = tpu.vector_load %arg5[%parallel_loop3A_259] {strides = array<i32>} : memref<8192xi32, #tpu.memory_space<vmem>>, vector<16xi32>,
      %parallel_loop3A_261 = arith.constant 65535 : i32
      %parallel_loop3A_262 = vector.broadcast %parallel_loop3A_261 : i32 to vector<16xi32>
      %parallel_loop3A_263 = arith.andi %parallel_loop3A_260, %parallel_loop3A_262 : vector<16xi32>
      %parallel_loop3A_264 = arith.constant 16 : i32
      %parallel_loop3A_265 = vector.broadcast %parallel_loop3A_264 : i32 to vector<16xi32>
      %parallel_loop3A_266 = arith.shrsi %parallel_loop3A_260, %parallel_loop3A_265 : vector<16xi32>
      %parallel_loop3A_267 = tpu.vector_load_idx %arg7[%parallel_loop3A_263] : memref<32768xf32, #tpu.memory_space<vmem>>[vector<16xi32>], vector<16xf32>,
      %parallel_loop3A_268 = tpu.vector_load_idx %arg7[%parallel_loop3A_266] : memref<32768xf32, #tpu.memory_space<vmem>>[vector<16xi32>], vector<16xf32>,
      %parallel_loop3A_269 = arith.mulf %parallel_loop3A_267, %parallel_loop3A_268 : vector<16xf32>
      %parallel_loop3A_270 = arith.constant 16 : i32
      %parallel_loop3A_271 = arith.muli %parallel_loop3A_256, %parallel_loop3A_270 : i32
      %parallel_loop3A_272 = arith.constant 0 : i32
      %parallel_loop3A_273 = arith.index_cast %parallel_loop3A_272 : i32 to index
      %parallel_loop3A_274 = arith.index_cast %parallel_loop3A_271 : i32 to index
      %parallel_loop3A_275 = tpu.vector_load %arg9[%parallel_loop3A_273, %parallel_loop3A_274] {strides = array<i32>} : memref<2x8192xf32, #tpu.memory_space<vmem>>, vector<16xf32>,
      tpu.vector_store %arg9[%parallel_loop3A_273, %parallel_loop3A_274], %parallel_loop3A_269 {strides = array<i32>} : memref<2x8192xf32, #tpu.memory_space<vmem>>, vector<16xf32>,
      %parallel_loop3A_276 = arith.constant 16384 : i32
      %parallel_loop3A_277 = tpu.memref_slice %arg7[%parallel_loop3A_276] : memref<32768xf32, #tpu.memory_space<vmem>> -> memref<16384xf32, #tpu.memory_space<vmem>>
      %parallel_loop3A_278 = tpu.vector_load_idx %parallel_loop3A_277[%parallel_loop3A_263] : memref<16384xf32, #tpu.memory_space<vmem>>[vector<16xi32>], vector<16xf32>,
      %parallel_loop3A_279 = arith.constant 16384 : i32
      %parallel_loop3A_280 = tpu.memref_slice %arg7[%parallel_loop3A_279] : memref<32768xf32, #tpu.memory_space<vmem>> -> memref<16384xf32, #tpu.memory_space<vmem>>
      %parallel_loop3A_281 = tpu.vector_load_idx %parallel_loop3A_280[%parallel_loop3A_266] : memref<16384xf32, #tpu.memory_space<vmem>>[vector<16xi32>], vector<16xf32>,
      %parallel_loop3A_282 = arith.mulf %parallel_loop3A_278, %parallel_loop3A_281 : vector<16xf32>
      %parallel_loop3A_283 = arith.constant 16 : i32
      %parallel_loop3A_284 = arith.muli %parallel_loop3A_256, %parallel_loop3A_283 : i32
      %parallel_loop3A_285 = arith.constant 1 : i32
      %parallel_loop3A_286 = arith.index_cast %parallel_loop3A_285 : i32 to index
      %parallel_loop3A_287 = arith.index_cast %parallel_loop3A_284 : i32 to index
      %parallel_loop3A_288 = tpu.vector_load %arg9[%parallel_loop3A_286, %parallel_loop3A_287] {strides = array<i32>} : memref<2x8192xf32, #tpu.memory_space<vmem>>, vector<16xf32>,
      tpu.vector_store %arg9[%parallel_loop3A_286, %parallel_loop3A_287], %parallel_loop3A_282 {strides = array<i32>} : memref<2x8192xf32, #tpu.memory_space<vmem>>, vector<16xf32>,
    } {sc.loop_unroll_factor = 8 : i64, sc.parallel_access}
    %add3A_238 = arith.constant 126 : i32
    %add3A_239 = arith.addi %mul3A_2, %add3A_238 : i32
    %dma_start3A_240 = arith.constant 0 : i32
    %dma_start3A_241 = tpu.memref_slice %arg4[%add3A_239, %dma_start3A_240] : memref<4096x8192xf32, #tpu.memory_space<hbm>> -> memref<2x8192xf32, #tpu.memory_space<hbm>>
    %dma_start3A_242 = arith.constant 0 : i32
    %dma_start3A_243 = tpu.memref_slice %arg4[%add3A_239, %dma_start3A_242] : memref<4096x8192xf32, #tpu.memory_space<hbm>> -> memref<2x8192xf32, #tpu.memory_space<hbm>>
    tpu.enqueue_dma source(%arg9 : memref<2x8192xf32, #tpu.memory_space<vmem>>) target(%dma_start3A_243 : memref<2x8192xf32, #tpu.memory_space<hbm>>) target_semaphore(%arg13 : memref<!tpu.dma_semaphore, #tpu.memory_space<semaphore_mem>>)
    %add3A_244 = arith.constant 124 : i32
    %add3A_245 = arith.addi %mul3A_2, %add3A_244 : i32
    %dma_wait3A_246 = arith.constant 0 : i32
    %dma_wait3A_247 = tpu.memref_slice %arg4[%add3A_245, %dma_wait3A_246] : memref<4096x8192xf32, #tpu.memory_space<hbm>> -> memref<2x8192xf32, #tpu.memory_space<hbm>>
    %dma_wait3A_248 = arith.constant 0 : i32
    %dma_wait3A_249 = tpu.memref_slice %arg4[%add3A_245, %dma_wait3A_248] : memref<4096x8192xf32, #tpu.memory_space<hbm>> -> memref<2x8192xf32, #tpu.memory_space<hbm>>
    tpu.wait_dma2 semaphore(%arg12 : memref<!tpu.dma_semaphore, #tpu.memory_space<semaphore_mem>>) src(%arg8 : memref<2x8192xf32, #tpu.memory_space<vmem>>) dst(%dma_wait3A_249 : memref<2x8192xf32, #tpu.memory_space<hbm>>)
    %add3A_250 = arith.constant 126 : i32
    %add3A_251 = arith.addi %mul3A_2, %add3A_250 : i32
    %dma_wait3A_252 = arith.constant 0 : i32
    %dma_wait3A_253 = tpu.memref_slice %arg4[%add3A_251, %dma_wait3A_252] : memref<4096x8192xf32, #tpu.memory_space<hbm>> -> memref<2x8192xf32, #tpu.memory_space<hbm>>
    %dma_wait3A_254 = arith.constant 0 : i32
    %dma_wait3A_255 = tpu.memref_slice %arg4[%add3A_251, %dma_wait3A_254] : memref<4096x8192xf32, #tpu.memory_space<hbm>> -> memref<2x8192xf32, #tpu.memory_space<hbm>>
    tpu.wait_dma2 semaphore(%arg13 : memref<!tpu.dma_semaphore, #tpu.memory_space<semaphore_mem>>) src(%arg9 : memref<2x8192xf32, #tpu.memory_space<vmem>>) dst(%dma_wait3A_255 : memref<2x8192xf32, #tpu.memory_space<hbm>>)
    return
  }
}

</mosaic_0001>

<sc_bundles>
// kernel: kernel.3.cloned.1.call-start
scs
__scs_entry_jumppad:
0x0: {  	(pc) =	sbr.rel $0x88, $3  }
0x1: {  	(tag) =	ssettag $0x0;
	lr =	simm.s32 $0x1  }
0x2: {  	[smem:$0x3F9E] =	sst lr;
	_ =	strace $0xD0000000  }
0x3: {  	_ = 	snop  }
0x4: {  	_ = 	snop  }
0x5: {  	_ = 	snop  }
0x6: {  	_ = 	snop  }
0x7: {  	_ = 	snop  }
__scs_overlays_trampoline_lowered:
0x8: {  	[smem:$0x3FAD] =	sst s0  }
0x9: {  	[smem:$0x3FAE] =	sst s1  }
0xa: {  	[smem:$0x3FAF] =	sst s2  }
0xb: {  	[smem:$0x3FB0] =	sst s3  }
0xc: {  	[smem:$0x3FB1] =	sst s4  }
0xd: {  	[smem:$0x3FB2] =	sst s5  }
0xe: {  	[smem:$0x3FB3] =	sst s6  }
0xf: {  	[smem:$0x3FB4] =	sst s7  }
0x10: {  	[smem:$0x3FB5] =	sst s8  }
0x11: {  	[smem:$0x3FB6] =	sst s9;
	s0 =	simm.s32 @!p0 $0x0  }
0x12: {  	s1 =	sld [smem:$0x3F9C];
	s0 =	simm.s32 @p0 $0x1  }
0x13: {  	[smem:$0x3FB7] =	sst s0;
	s0 =	simm.s32 @!p1 $0x0  }
0x14: {  	s2 =	sld [smem:$0x3F9B];
	s0 =	simm.s32 @p1 $0x1  }
0x15: {  	[smem:$0x3FB8] =	sst s0;
	s0 =	simm.s32 @!p2 $0x0  }
0x16: {  	s3 =	sld [smem:$0x3FDB];
	s0 =	simm.s32 @p2 $0x1  }
0x17: {  	s4 =	simm.s32 $0x1BF5;
	[smem:$0x3FBA] =	sst s0  }
0x18: {  	s0 =	sld [smem:$0x3F9D];
	_ =	swait.ge [sflag:s4], $0x0  }
0x19: {  	s7 =	sld [smem:$0x3F9E]  }
0x1a: {  	s8 =	sadd.s32 $0xFFFFE003, lr  }
0x1b: {  	s9 =	sadd.s32 $0xFFFFFEF7, lr;
	s5 =	simm.s32 $0xFFFFFFFF;
	p2 =	slt.u32 s8, $0xFFFFF086  }
0x1c: {  	p1 =	slt.u32 s9, $0xF7A;
	s5 =	simm.s32 @!p2 $0x0  }
0x1d: {  	s5 =	simm.s32 @p1 $0x1;
	p0 =	seq.s32 s7, s2  }
0x1e: {  	s7 =	smul.u32 @!p0 $0xF7A, s2;
	p2 =	seq.s32 @!p0 s5, $0x0  }
0x1f: {  	s9 =	smul.u32 $0xF7A, s1;
	s8 =	simm.s32 @!p0 $0x1BF5;
	p2 =	por !p2, p0  }
0x20: {  	[sflag:s8] =	ssyncset.s32 @!p0 $0xFFFFF086;
	s6 =	sadd.s32 @!p0 s3, s7;
	s7 =	simm.s32 @!p0 $0x108  }
0x21: {  	s3 =	sadd.s32 s3, s9;
	s6 =	sadd.s32 @!p0 $0x88, s6;
	s7 =	simm.s32 @p2 $0x1082  }
0x22: {  	[simem:s7], [sflag:s8] =	dma.local @!p0 [hbm:s6], $0xF7A  }
0x23: {  	s9 =	sor.u32 $0xD0000000, s2;
	s6 =	simm.s32 $0x108;
	_ =	swait.ge @!p0 [sflag:s8], $0x0  }
0x24: {  	s3 =	sadd.s32 $0x88, s3;
	s6 =	simm.s32 @!p1 $0x1082;
	[sflag:s4] =	ssyncset.s32 $0xFFFFF086  }
0x25: {  	[simem:s6], [sflag:s4] =	dma.local [hbm:s3], $0xF7A  }
0x26: {  	[smem:$0x3F9E] =	sst s1;
	(tag) =	ssettag s2;
	_ =	strace s9  }
0x27: {  	s1 =	sld [smem:$0x3FAE]  }
0x28: {  	s2 =	sld [smem:$0x3FAF]  }
0x29: {  	s4 =	sld [smem:$0x3FB1]  }
0x2a: {  	p0 =	seq.s32 s5, $0x0;
	s5 =	sld [smem:$0x3FB2]  }
0x2b: {  	s6 =	sld [smem:$0x3FB3]  }
0x2c: {  	s7 =	sld [smem:$0x3FB4]  }
0x2d: {  	s3 =	simm.s32 $0x108;
	s8 =	sld [smem:$0x3FB5]  }
0x2e: {  	s3 =	simm.s32 @!p0 $0x1082;
	s9 =	sld [smem:$0x3FB6]  }
0x2f: {  	lr =	sadd.s32 s0, s3;
	s0 =	sld [smem:$0x3FAD]  }
0x30: {  	s3 =	sld [smem:$0x3FB0]  }
0x31: {  	[smem:$0x3FB9] =	sst s10  }
0x32: {  	s10 =	sld [smem:$0x3FB7];
	_ =	sdelay $0x3  }
0x33: {  	p0 =	seq.s32 s10, $0x1;
	s10 =	sld [smem:$0x3FB9];
	_ =	sdelay $0x3  }
0x34: {  	[smem:$0x3FB9] =	sst s10  }
0x35: {  	s10 =	sld [smem:$0x3FB8];
	_ =	sdelay $0x3  }
0x36: {  	p1 =	seq.s32 s10, $0x1;
	s10 =	sld [smem:$0x3FB9];
	_ =	sdelay $0x3  }
0x37: {  	[smem:$0x3FB9] =	sst s10  }
0x38: {  	s10 =	sld [smem:$0x3FBA]  }
0x39: {  	_ = 	snop;
	(pc) =	sbr.ind lr, $3  }
0x3a: {  	_ = 	snop  }
0x3b: {  	_ = 	snop  }
0x3c: {  	p2 =	seq.s32 s10, $0x1;
	s10 =	sld [smem:$0x3FB9]  }
0x3d: {  	_ =	shalt  }
0x3e: {  	_ =	shalt  }
0x3f: {  	_ =	shalt  }
0x40: {  	_ =	shalt  }
0x41: {  	_ =	shalt  }
0x42: {  	_ =	shalt  }
0x43: {  	_ =	shalt  }
0x44: {  	_ =	shalt  }
0x45: {  	_ =	shalt  }
0x46: {  	_ =	shalt  }
0x47: {  	_ =	shalt  }
0x48: {  	_ =	shalt  }
0x49: {  	_ =	shalt  }
0x4a: {  	_ =	shalt  }
0x4b: {  	_ =	shalt  }
0x4c: {  	_ =	shalt  }
0x4d: {  	_ =	shalt  }
0x4e: {  	_ =	shalt  }
0x4f: {  	_ =	shalt  }
0x50: {  	_ =	shalt  }
0x51: {  	_ =	shalt  }
0x52: {  	_ =	shalt  }
0x53: {  	_ =	shalt  }
0x54: {  	_ =	shalt  }
0x55: {  	_ =	shalt  }
0x56: {  	_ =	shalt  }
0x57: {  	_ =	shalt  }
0x58: {  	_ =	shalt  }
0x59: {  	_ =	shalt  }
0x5a: {  	_ =	shalt  }
0x5b: {  	_ =	shalt  }
0x5c: {  	_ =	shalt  }
0x5d: {  	_ =	shalt  }
0x5e: {  	_ =	shalt  }
0x5f: {  	_ =	shalt  }
0x60: {  	_ =	shalt  }
0x61: {  	_ =	shalt  }
0x62: {  	_ =	shalt  }
0x63: {  	_ =	shalt  }
0x64: {  	_ =	shalt  }
0x65: {  	_ =	shalt  }
0x66: {  	_ =	shalt  }
0x67: {  	_ =	shalt  }
0x68: {  	_ =	shalt  }
0x69: {  	_ =	shalt  }
0x6a: {  	_ =	shalt  }
0x6b: {  	_ =	shalt  }
0x6c: {  	_ =	shalt  }
0x6d: {  	_ =	shalt  }
0x6e: {  	_ =	shalt  }
0x6f: {  	_ =	shalt  }
0x70: {  	_ =	shalt  }
0x71: {  	_ =	shalt  }
0x72: {  	_ =	shalt  }
0x73: {  	_ =	shalt  }
0x74: {  	_ =	shalt  }
0x75: {  	_ =	shalt  }
0x76: {  	_ =	shalt  }
0x77: {  	_ =	shalt  }
0x78: {  	_ =	shalt  }
0x79: {  	_ =	shalt  }
0x7a: {  	_ =	shalt  }
0x7b: {  	_ =	shalt  }
0x7c: {  	_ =	shalt  }
0x7d: {  	_ =	shalt  }
0x7e: {  	_ =	shalt  }
0x7f: {  	_ =	shalt  }
0x80: {  	_ =	shalt  }
0x81: {  	_ =	shalt  }
0x82: {  	_ =	shalt  }
0x83: {  	_ =	shalt  }
0x84: {  	_ =	shalt  }
0x85: {  	_ =	shalt  }
0x86: {  	_ =	shalt  }
0x87: {  	_ =	shalt  }
.Lfunc_end0:
.L_simem_size_0:
called_computation_lowered:
.L_overlay_start_0:
0x88: {  	s2 =	sld [smem:$0x3FD9]  }
0x89: {  	s3 =	sld [smem:$0x3FFE];
	_ =	sdelay $0x1  }
0x8a: {  	s1 =	srdreg.scid  }
0x8b: {  	s0 =	sand.u32 $0x1, s1  }
0x8c: {  	s17 =	sshll.u32 s0, $0xA;
	s2 =	sadd.s32 s3, s2  }
0x8d: {  	s2 =	sadd.s32 s2, s17  }
0x8e: {  	[smem:$0x3FC5] =	sst s2  }
0x8f: {  	_ = 	snop  }
0x90: {  	s2 =	sld [smem:$0x3FC9]  }
0x91: {  	s18 =	sld [smem:$0x3FD0];
	(tm) =	ssettm $0x1  }
0x92: {  	s4 =	sld [smem:$0x3FFB];
	_ =	sdelay $0x3  }
0x93: {  	_ =	strace s4  }
0x94: {  	s4 =	sld [smem:$0x3FFC];
	_ =	sdelay $0x3  }
0x95: {  	_ =	strace s4  }
0x96: {  	s4 =	sld [smem:$0x3FFD];
	_ =	sdelay $0x3  }
0x97: {  	_ =	strace s4  }
0x98: {  	_ =	strace $0x8FFFFFFF  }
0x99: {  	s19 =	sld [smem:$0x3FDB];
	_ =	sdelay $0x1  }
0x9a: {  	s5 =	simm.s32 $_scs_section_size  }
0x9b: {  	s6 =	simm.s32 $_size__tile_overlayer_lowered;
	s7 =	simm.s32 $_tile_overlayer_lowered  }
0x9c: {  	s22 =	simm.s32 $0x1BFF;
	s21 =	sshll.u32 s7, $0x1;
	s4 =	sadd.s32 s5, s19  }
0x9d: {  	s8 =	simm.s32 $0x0;
	s20 =	sshll.u32 s6, $0x1;
	s6 =	sadd.s32 s21, s4  }
0x9e: {  	[timem:s8], [sflag:s22] =	dma.local [hbm:s6], s20  }
0x9f: {  	_ =	swait.ge [sflag:s22], s20  }
0xa0: {  	s5 =	ssub.s32 $0x0, s20;
	[sflag:s22] =	ssyncset.done $0x0  }
0xa1: {  	[sflag:s22] =	ssyncadd.s32 s5;
	_ =	sdelay $0x1  }
0xa2: {  	s23 =	simm.s32 $0x1B8B  }
0xa3: {  	_ =	swait.ge [sflag:s23], $0x1  }
0xa4: {  	[sflag:s23] =	ssyncset.done $0x0  }
0xa5: {  	s25 =	simm.s32 $0x1B8E;
	s24 =	sld [smem:$0x3FFE];
	[sflag:s23] =	ssyncadd.s32 $0xFFFFFFFF  }
0xa6: {  	s26 =	simm.s32 $execute0_lowered;
	[smem:$0x3FD2] =	sst s25  }
0xa7: {  	s6 =	sshll.u32 s26, $0x1;
	_ =	strace $0x80000046;
	[dreg:$0x1] =	wrdreg $0xFFFFFFFF  }
0xa8: {  	s28 =	simm.s32 $_size_execute0_lowered;
	s4 =	sadd.s32 s4, s6;
	[dreg:$0x0] =	wrdreg $0x0  }
0xa9: {  	s6 =	sshll.u32 s28, $0x1;
	[dreg:$0x2] =	wrdreg s4  }
0xaa: {  	[dreg:$0x3] =	wrdreg s6  }
0xab: {  	[dreg:$0x4] =	wrdreg $0xC0  }
0xac: {  	_ =	task [dreg:s8], $0x5FFFF  }
0xad: {  	[dreg:$0x1] =	wrdreg $0xFFFFFFFF  }
0xae: {  	[dreg:$0x0] =	wrdreg $0x60  }
0xaf: {  	[dreg:$0x2] =	wrdreg s2  }
0xb0: {  	[dreg:$0x3] =	wrdreg s24  }
0xb1: {  	[dreg:$0x4] =	wrdreg s18  }
0xb2: {  	[dreg:$0x5] =	wrdreg $0x9  }
0xb3: {  	_ =	task.clear_ibuf [dreg:s8], $0x6FFFF;
	_ =	strace $0x90000046  }
0xb4: {  	s29 =	simm.s32 $0x9;
	_ =	strace $0x80000048  }
0xb5: {  	_ =	swait.ge [sflag:s29], $0x1  }
0xb6: {  	[sflag:s29] =	ssyncadd.s32 $0xFFFFFFFF  }
0xb7: {  	_ =	strace $0x90000048  }
0xb8: {  	_ =	sfence  }
0xb9: {  	s30 =	sld [smem:$0x0];
	_ =	sdelay $0x2  }
0xba: {  	s31 =	sshll.u32 s1, $0xD;
	s1 =	sshrl.u32 s1, $0x2  }
0xbb: {  	s3 =	sand.u32 $0x4000, s31;
	s1 =	sadd.s32 s1, s30  }
0xbc: {  	s0 =	sor.u32 s3, s0;
	s1 =	sshll.u32 s1, $0x11  }
0xbd: {  	s0 =	sor.u32 s1, s0  }
0xbe: {  	s0 =	sadd.s32 $0x8F2B, s0  }
0xbf: {  	[sflag:s0] =	ssyncadd.remote.s32 $0x1  }
0xc0: {  	_ =	sfence.sel $0xFFFF  }
0xc1: {  	[dreg:$0x0] =	wrdreg $0xFFFFFFFF;
	(pc) =	sbr.abs _section_cstart, $3  }
0xc2: {  	[dreg:$0x1] =	wrdreg $0xFFFFFFFF  }
0xc3: {  	_ =	task.clear_ibuf [dreg:s8], $0x2FFFF;
	_ =	strace $0x9FFFFFFF  }
0xc4: {  	(tm) =	ssettm $0x7FFFFFFF  }
0xc5: {  	_ =	shalt  }
tec
execute0_lowered:
.L_overlay_start_1:
0x0: {  	(tag) =	ssettag $0x1  }
0x1: {  	s1 =	rddreg [dreg:$0x0];
	s0 =	srdreg.scid  }
0x2: {  	s2 =	rddreg [dreg:$0x1];
	s4 =	stileid.u32  }
0x3: {  	s3 =	rddreg [dreg:$0x2];
	s6 =	simm.s32 $0x0;
	s0 =	sand.u32 $0x1, s0  }
0x4: {  	s28 =	simm.s32 $0xE000;
	s4 =	sshll.u32 s4, $0x8;
	s5 =	sshll.u32 s0, $0x7  }
0x5: {  	s29 =	simm.s32 $0x1;
	s30 =	simm.s32 $0x100;
	s5 =	sor.u32 s5, s4  }
0x6: {  	s31 =	simm.s32 $0x12000;
	s8 =	simm.s32 $0x0;
	s4 =	sshll.u32 s5, $0xB  }
0x7: {  	[smem:$0x7FF] =	sst s6;
	s2 =	sadd.s32 $0x400, s2;
	s6 =	sadd.s32 s1, s4  }
0x8: {  	_ =	strace $0x80000047;
	[dreg:$0x4] =	wrdreg s2;
	s19 =	sadd.s32 $0x10, s6  }
0x9: {  	s0 =	ssub.s32 $0x2, s0;
	s20 =	sadd.s32 $0x20, s6;
	[dreg:$0x5] =	wrdreg s19  }
0xa: {  	s2 =	simm.s32 $0x2;
	s21 =	sadd.s32 $0x30, s6;
	[dreg:$0x6] =	wrdreg s20  }
0xb: {  	s11 =	sshll.u32 s5, $0xA;
	s22 =	sadd.s32 $0x40, s6;
	[dreg:$0x7] =	wrdreg s21  }
0xc: {  	s12 =	sadd.s32 s3, s11;
	s23 =	sadd.s32 $0x50, s6;
	[dreg:$0x8] =	wrdreg s22  }
0xd: {  	s7 =	sshrl.u32 s0, $0x1;
	s24 =	sadd.s32 $0x20, s12;
	[dreg:$0x9] =	wrdreg s23  }
0xe: {  	s0 =	ssub.s32 s0, s7;
	s25 =	sadd.s32 $0x60, s6;
	[dreg:$0xa] =	wrdreg s24  }
0xf: {  	s7 =	simm.s32 $0x4;
	s26 =	sadd.s32 $0x70, s6;
	[dreg:$0xb] =	wrdreg s25  }
0x10: {  	s4 =	simm.s32 $0x3;
	s18 =	sadd.s32 $0x1E040, s12;
	[dreg:$0xc] =	wrdreg s26  }
0x11: {  	s19 =	sadd.s32 $0x1E060, s12;
	s20 =	smax.u32 s0, $0x1;
	s21 =	simm.s32 $0x5  }
0x12: {  	s22 =	simm.s32 $0x80;
	s23 =	simm.s32 $0x400;
	s24 =	simm.s32 $0x2000  }
0x13: {  	s25 =	simm.s32 $0x6000;
	s26 =	simm.s32 $0xA000;
	s0 =	simm.s32 $0x16000  }
.LBB2_1:
0x14: {  	s9 =	simm.s32 $0x0;
	s10 =	rddreg [dreg:$0x4]  }
0x15: {  	[tilespmem:s9], [sflag:$0x5] =	stream.linear.gather [hbm4b:s10+s9], $0x2000, $0x38;
	[tilespmem:$0x1A000] =	vst v63  }
0x16: {  	_ =	swait.ge [sflag:s21], $0x2000  }
0x17: {  	[sflag:s21] =	ssyncset.done $0x0  }
0x18: {  	[sflag:s21] =	ssyncadd.s32 $0xFFFFE000  }
0x19: {  	[tilespmem:s24], [sflag:$0x1] =	stream.strided.gather [hbm4b:s6+s22], $0x4000, s23, s22, $0x38;
	[tilespmem:$0x1A000] =	vst v63  }
0x1a: {  	s14 =	rddreg [dreg:$0x5]  }
0x1b: {  	[tilespmem:s25], [sflag:$0x1] =	stream.strided.gather [hbm4b:s14+s22], $0x4000, s23, s22, $0x38;
	[tilespmem:$0x1A000] =	vst v63  }
0x1c: {  	s15 =	rddreg [dreg:$0x6]  }
0x1d: {  	[tilespmem:s26], [sflag:$0x2] =	stream.strided.gather [hbm4b:s15+s22], $0x4000, s23, s22, $0x38;
	[tilespmem:$0x1A000] =	vst v63  }
0x1e: {  	s16 =	rddreg [dreg:$0x7]  }
0x1f: {  	[tilespmem:s28], [sflag:$0x2] =	stream.strided.gather [hbm4b:s16+s22], $0x4000, s23, s22, $0x38;
	[tilespmem:$0x1A000] =	vst v63  }
0x20: {  	_ =	swait.ge [sflag:s29], $0x4000  }
0x21: {  	[sflag:s29] =	ssyncset.done $0x0  }
0x22: {  	[sflag:s29] =	ssyncadd.s32 $0xFFFFC000  }
0x23: {  	_ =	swait.ge [sflag:s29], $0x4000  }
0x24: {  	[sflag:s29] =	ssyncset.done $0x0  }
0x25: {  	s17 =	simm.s32 $0x40;
	[sflag:s29] =	ssyncadd.s32 $0xFFFFC000  }
0x26: {  	v0 =	vld [tilespmem:s17+$0x30];
	_ =	sdelay $0x1  }
0x27: {  	v1 =	vld [tilespmem:s17+$0xFFFFFFD0];
	_ =	sdelay $0x1  }
0x28: {  	v2 =	vld [tilespmem:s17+$0xFFFFFFE0]  }
0x29: {  	v3 =	vld [tilespmem:s17+$0xFFFFFFF0];
	v4 =	vand.u32 $0xFFFF, v0  }
0x2a: {  	v5 =	vld [tilespmem:s17+$0x0];
	v0 =	vshra.s32 v0, $0x10  }
0x2b: {  	v7 =	vld [tilespmem:s17+$0xFFFFFFC0];
	v6 =	vand.u32 $0xFFFF, v1  }
0x2c: {  	v8 =	vld [tilespmem:s17+$0x10];
	v9 =	vshra.s32 v1, $0x10  }
0x2d: {  	v10 =	vld [tilespmem:s17+$0x20];
	v11 =	vand.u32 $0xFFFF, v2  }
0x2e: {  	v2 =	vshra.s32 v2, $0x10;
	v1 =	vld.idx.msk [tilespmem:v4+s24+$0x0], $0xffff  }
0x2f: {  	v12 =	vand.u32 $0xFFFF, v3;
	v13 =	vld.idx.msk [tilespmem:v0+s24+$0x0], $0xffff  }
0x30: {  	v14 =	vand.u32 $0xFFFF, v7;
	v15 =	vld.idx.msk [tilespmem:v6+s24+$0x0], $0xffff  }
0x31: {  	v7 =	vshra.s32 v7, $0x10;
	v16 =	vld.idx.msk [tilespmem:v9+s24+$0x0], $0xffff  }
0x32: {  	v3 =	vshra.s32 v3, $0x10;
	v17 =	vld.idx.msk [tilespmem:v11+s24+$0x0], $0xffff  }
0x33: {  	v60 =	vshra.s32 v5, $0x10;
	v18 =	vld.idx.msk [tilespmem:v2+s24+$0x0], $0xffff  }
0x34: {  	v22 =	vand.u32 $0xFFFF, v8;
	v19 =	vld.idx.msk [tilespmem:v12+s24+$0x0], $0xffff  }
0x35: {  	v24 =	vshra.s32 v8, $0x10;
	v21 =	vld.idx.msk [tilespmem:v14+s24+$0x0], $0xffff  }
0x36: {  	v20 =	vand.u32 $0xFFFF, v5;
	v5 =	vld.idx.msk [tilespmem:v7+s24+$0x0], $0xffff  }
0x37: {  	v23 =	vld.idx.msk [tilespmem:v3+s24+$0x0], $0xffff  }
0x38: {  	v25 =	vld.idx.msk [tilespmem:v60+s24+$0x0], $0xffff;
	v1 =	vmul.f32 v13, v1  }
0x39: {  	s9 =	simm.s32 $0x12080;
	v26 =	vld.idx.msk [tilespmem:v22+s24+$0x0], $0xffff  }
0x3a: {  	v61 =	vld.idx.msk [tilespmem:v24+s24+$0x0], $0xffff;
	[tilespmem:s9+$0xFFFFFFF0] =	vst v1  }
0x3b: {  	v5 =	vmul.f32 v5, v21;
	v4 =	vld.idx.msk [tilespmem:v4+s25+$0x0], $0xffff  }
0x3c: {  	v8 =	vld.idx.msk [tilespmem:v0+s25+$0x0], $0xffff  }
0x3d: {  	v15 =	vmul.f32 v16, v15;
	v1 =	vand.u32 $0xFFFF, v10;
	[tilespmem:s9+$0xFFFFFF80] =	vst v5;
	v0 =	vshra.s32 v10, $0x10;
	v10 =	vld.idx.msk [tilespmem:v20+s24+$0x0], $0xffff  }
0x3e: {  	v14 =	vld.idx.msk [tilespmem:v14+s25+$0x0], $0xffff  }
0x3f: {  	[tilespmem:s9+$0xFFFFFF90] =	vst v15;
	v7 =	vld.idx.msk [tilespmem:v7+s25+$0x0], $0xffff  }
0x40: {  	v6 =	vld.idx.msk [tilespmem:v6+s25+$0x0], $0xffff  }
0x41: {  	v62 =	vmul.f32 v18, v17;
	v9 =	vld.idx.msk [tilespmem:v9+s25+$0x0], $0xffff  }
0x42: {  	v63 =	vmul.f32 v23, v19;
	v27 =	vld.idx.msk [tilespmem:v1+s24+$0x0], $0xffff  }
0x43: {  	[tilespmem:s9+$0xFFFFFFA0] =	vst v62;
	v5 =	vld.idx.msk [tilespmem:v0+s24+$0x0], $0xffff;
	v4 =	vmul.f32 v8, v4  }
0x44: {  	[tilespmem:s9+$0xFFFFFFB0] =	vst v63;
	v8 =	vld.idx.msk [tilespmem:v11+s25+$0x0], $0xffff;
	v10 =	vmul.f32 v25, v10  }
0x45: {  	v11 =	vld.idx.msk [tilespmem:v2+s25+$0x0], $0xffff;
	[tilespmem:s9+$0x70] =	vst v4;
	v4 =	vmul.f32 v61, v26  }
0x46: {  	v2 =	vld.idx.msk [tilespmem:v12+s25+$0x0], $0xffff;
	[tilespmem:s9+$0xFFFFFFC0] =	vst v10  }
0x47: {  	[tilespmem:s9+$0xFFFFFFD0] =	vst v4;
	v4 =	vmul.f32 v7, v14;
	v7 =	vmul.f32 v9, v6;
	v6 =	vld.idx.msk [tilespmem:v60+s25+$0x0], $0xffff  }
0x48: {  	v10 =	vmul.f32 v5, v27;
	v5 =	vld.idx.msk [tilespmem:v3+s25+$0x0], $0xffff  }
0x49: {  	v3 =	vld.idx.msk [tilespmem:v20+s25+$0x0], $0xffff;
	[tilespmem:s9+$0x0] =	vst v4  }
0x4a: {  	v4 =	vld.idx.msk [tilespmem:v22+s25+$0x0], $0xffff;
	[tilespmem:s9+$0x10] =	vst v7  }
0x4b: {  	s13 =	simm.s32 $0xC0;
	s10 =	simm.s32 $0x0;
	v8 =	vmul.f32 v11, v8;
	v7 =	vld.idx.msk [tilespmem:v24+s25+$0x0], $0xffff;
	[tilespmem:s9+$0xFFFFFFE0] =	vst v10  }
.LBB2_2:
0x4c: {  	v9 =	vld [tilespmem:s13+$0x30]  }
0x4d: {  	v2 =	vmul.f32 v5, v2;
	v10 =	vld [tilespmem:s13+$0xFFFFFFD0];
	[tilespmem:s9+$0x20] =	vst v8  }
0x4e: {  	s10 =	sadd.s32 $0x8, s10;
	v5 =	vld [tilespmem:s13+$0xFFFFFFE0]  }
0x4f: {  	p0 =	slt.u32 s10, $0x1F8;
	v8 =	vld [tilespmem:s13+$0xFFFFFFF0];
	[tilespmem:s9+$0x30] =	vst v2;
	v2 =	vmul.f32 v6, v3  }
0x50: {  	v3 =	vld [tilespmem:s13+$0x0]  }
0x51: {  	v6 =	vld [tilespmem:s13+$0x10];
	v11 =	vand.u32 $0xFFFF, v9;
	[tilespmem:s9+$0x40] =	vst v2;
	v2 =	vmul.f32 v7, v4  }
0x52: {  	v9 =	vshra.s32 v9, $0x10;
	v4 =	vshra.s32 v10, $0x10;
	v7 =	vand.u32 $0xFFFF, v10;
	v10 =	vld [tilespmem:s13+$0x20]  }
0x53: {  	v12 =	vld [tilespmem:s13+$0xFFFFFFC0];
	v13 =	vshra.s32 v5, $0x10;
	v5 =	vand.u32 $0xFFFF, v5;
	[tilespmem:s9+$0x50] =	vst v2  }
0x54: {  	v14 =	vshra.s32 v8, $0x10;
	v2 =	vand.u32 $0xFFFF, v8;
	v8 =	vld.idx.msk [tilespmem:v1+s25+$0x0], $0xffff  }
0x55: {  	v15 =	vshra.s32 v3, $0x10;
	v3 =	vand.u32 $0xFFFF, v3;
	v16 =	vld.idx.msk [tilespmem:v0+s25+$0x0], $0xffff  }
0x56: {  	v17 =	vshra.s32 v6, $0x10;
	v18 =	vand.u32 $0xFFFF, v6;
	v6 =	vld.idx.msk [tilespmem:v11+s24+$0x0], $0xffff  }
0x57: {  	v0 =	vshra.s32 v10, $0x10;
	v1 =	vand.u32 $0xFFFF, v10;
	v10 =	vld.idx.msk [tilespmem:v9+s24+$0x0], $0xffff  }
0x58: {  	v19 =	vshra.s32 v12, $0x10;
	v12 =	vand.u32 $0xFFFF, v12;
	v20 =	vld.idx.msk [tilespmem:v7+s24+$0x0], $0xffff  }
0x59: {  	v21 =	vld.idx.msk [tilespmem:v4+s24+$0x0], $0xffff  }
0x5a: {  	v22 =	vld.idx.msk [tilespmem:v5+s24+$0x0], $0xffff  }
0x5b: {  	v8 =	vmul.f32 v16, v8;
	v23 =	vld.idx.msk [tilespmem:v13+s24+$0x0], $0xffff  }
0x5c: {  	v16 =	vld.idx.msk [tilespmem:v2+s24+$0x0], $0xffff  }
0x5d: {  	v6 =	vmul.f32 v10, v6;
	v24 =	vld.idx.msk [tilespmem:v12+s24+$0x0], $0xffff;
	[tilespmem:s9+$0x60] =	vst v8  }
0x5e: {  	s9 =	sadd.s32 $0x100, s9;
	v8 =	vld.idx.msk [tilespmem:v19+s24+$0x0], $0xffff  }
0x5f: {  	v10 =	vmul.f32 v21, v20;
	v20 =	vld.idx.msk [tilespmem:v14+s24+$0x0], $0xffff;
	[tilespmem:s9+$0xFFFFFFF0] =	vst v6  }
0x60: {  	v6 =	vld.idx.msk [tilespmem:v11+s25+$0x0], $0xffff  }
0x61: {  	[tilespmem:s9+$0xFFFFFF90] =	vst v10;
	v10 =	vmul.f32 v23, v22;
	v9 =	vld.idx.msk [tilespmem:v9+s25+$0x0], $0xffff  }
0x62: {  	v11 =	vld.idx.msk [tilespmem:v3+s24+$0x0], $0xffff  }
0x63: {  	[tilespmem:s9+$0xFFFFFFA0] =	vst v10;
	v10 =	vld.idx.msk [tilespmem:v15+s24+$0x0], $0xffff  }
0x64: {  	v8 =	vmul.f32 v8, v24;
	v21 =	vld.idx.msk [tilespmem:v18+s24+$0x0], $0xffff  }
0x65: {  	v16 =	vmul.f32 v20, v16;
	v20 =	vld.idx.msk [tilespmem:v17+s24+$0x0], $0xffff  }
0x66: {  	[tilespmem:s9+$0xFFFFFF80] =	vst v8;
	v8 =	vld.idx.msk [tilespmem:v1+s24+$0x0], $0xffff  }
0x67: {  	v6 =	vmul.f32 v9, v6;
	[tilespmem:s9+$0xFFFFFFB0] =	vst v16;
	v16 =	vld.idx.msk [tilespmem:v0+s24+$0x0], $0xffff  }
0x68: {  	v9 =	vld.idx.msk [tilespmem:v12+s25+$0x0], $0xffff  }
0x69: {  	v10 =	vmul.f32 v10, v11;
	v12 =	vld.idx.msk [tilespmem:v19+s25+$0x0], $0xffff;
	[tilespmem:s9+$0x70] =	vst v6  }
0x6a: {  	v6 =	vld.idx.msk [tilespmem:v7+s25+$0x0], $0xffff  }
0x6b: {  	v7 =	vmul.f32 v20, v21;
	v4 =	vld.idx.msk [tilespmem:v4+s25+$0x0], $0xffff;
	[tilespmem:s9+$0xFFFFFFC0] =	vst v10  }
0x6c: {  	v10 =	vld.idx.msk [tilespmem:v5+s25+$0x0], $0xffff  }
0x6d: {  	v11 =	vld.idx.msk [tilespmem:v13+s25+$0x0], $0xffff;
	[tilespmem:s9+$0xFFFFFFD0] =	vst v7;
	v7 =	vmul.f32 v16, v8  }
0x6e: {  	v2 =	vld.idx.msk [tilespmem:v2+s25+$0x0], $0xffff  }
.Ltmp0:
0x6f: {  	v8 =	vmul.f32 v12, v9;
	v5 =	vld.idx.msk [tilespmem:v14+s25+$0x0], $0xffff;
	[tilespmem:s9+$0xFFFFFFE0] =	vst v7;
	(pc) =	sbr.rel @p0 .LBB2_2-.Ltmp0, $4  }
0x70: {  	v3 =	vld.idx.msk [tilespmem:v3+s25+$0x0], $0xffff  }
0x71: {  	v7 =	vmul.f32 v4, v6;
	[tilespmem:s9+$0x0] =	vst v8;
	v6 =	vld.idx.msk [tilespmem:v15+s25+$0x0], $0xffff  }
0x72: {  	v4 =	vld.idx.msk [tilespmem:v18+s25+$0x0], $0xffff  }
0x73: {  	s13 =	sadd.s32 $0x80, s13;
	v8 =	vmul.f32 v11, v10;
	[tilespmem:s9+$0x10] =	vst v7;
	v7 =	vld.idx.msk [tilespmem:v17+s25+$0x0], $0xffff  }
0x74: {  	_ =	sdelay $0x3  }
0x75: {  	v1 =	vld.idx.msk [tilespmem:v1+s25+$0x0], $0xffff  }
0x76: {  	v0 =	vld.idx.msk [tilespmem:v0+s25+$0x0], $0xffff;
	_ =	sdelay $0x1  }
0x77: {  	v2 =	vmul.f32 v5, v2  }
0x78: {  	[tilespmem:s9+$0x20] =	vst v8;
	v3 =	vmul.f32 v6, v3  }
0x79: {  	[tilespmem:s9+$0x30] =	vst v2;
	v2 =	vmul.f32 v7, v4  }
0x7a: {  	[tilespmem:s9+$0x40] =	vst v3;
	v0 =	vmul.f32 v0, v1  }
0x7b: {  	[tilespmem:s9+$0x50] =	vst v2  }
0x7c: {  	[tilespmem:s9+$0x60] =	vst v0  }
0x7d: {  	[hbm4b:s12+s30] =	stream.strided.scatter [tilespmem:s31], [sflag:$0x3], $0x4000, s23, s30, $0x38;
	[tilespmem:$0x1A000] =	vst v63  }
0x7e: {  	s9 =	rddreg [dreg:$0x8]  }
0x7f: {  	[tilespmem:s24], [sflag:$0x1] =	stream.strided.gather [hbm4b:s9+s22], $0x4000, s23, s22, $0x38;
	[tilespmem:$0x1A000] =	vst v63  }
0x80: {  	s16 =	rddreg [dreg:$0x9]  }
0x81: {  	[tilespmem:s25], [sflag:$0x1] =	stream.strided.gather [hbm4b:s16+s22], $0x4000, s23, s22, $0x38;
	[tilespmem:$0x1A000] =	vst v63  }
0x82: {  	_ =	swait.ge [sflag:s2], $0x4000  }
0x83: {  	[sflag:s2] =	ssyncset.done $0x0  }
0x84: {  	[sflag:s2] =	ssyncadd.s32 $0xFFFFC000  }
0x85: {  	_ =	swait.ge [sflag:s2], $0x4000  }
0x86: {  	[sflag:s2] =	ssyncset.done $0x0  }
0x87: {  	s17 =	simm.s32 $0x40;
	[sflag:s2] =	ssyncadd.s32 $0xFFFFC000  }
0x88: {  	v0 =	vld [tilespmem:s17+$0x30];
	_ =	sdelay $0x1  }
0x89: {  	v1 =	vld [tilespmem:s17+$0xFFFFFFD0];
	_ =	sdelay $0x1  }
0x8a: {  	v2 =	vld [tilespmem:s17+$0xFFFFFFE0]  }
0x8b: {  	v3 =	vld [tilespmem:s17+$0xFFFFFFF0];
	v4 =	vand.u32 $0xFFFF, v0  }
0x8c: {  	v5 =	vld [tilespmem:s17+$0x0];
	v0 =	vshra.s32 v0, $0x10  }
0x8d: {  	v7 =	vld [tilespmem:s17+$0xFFFFFFC0];
	v6 =	vand.u32 $0xFFFF, v1  }
0x8e: {  	v8 =	vld [tilespmem:s17+$0x10];
	v9 =	vshra.s32 v1, $0x10  }
0x8f: {  	v10 =	vld [tilespmem:s17+$0x20];
	v11 =	vand.u32 $0xFFFF, v2  }
0x90: {  	v2 =	vshra.s32 v2, $0x10;
	v1 =	vld.idx.msk [tilespmem:v4+s26+$0x0], $0xffff  }
0x91: {  	v12 =	vand.u32 $0xFFFF, v3;
	v13 =	vld.idx.msk [tilespmem:v0+s26+$0x0], $0xffff  }
0x92: {  	v14 =	vand.u32 $0xFFFF, v7;
	v15 =	vld.idx.msk [tilespmem:v6+s26+$0x0], $0xffff  }
0x93: {  	v7 =	vshra.s32 v7, $0x10;
	v16 =	vld.idx.msk [tilespmem:v9+s26+$0x0], $0xffff  }
0x94: {  	v3 =	vshra.s32 v3, $0x10;
	v17 =	vld.idx.msk [tilespmem:v11+s26+$0x0], $0xffff  }
0x95: {  	v60 =	vshra.s32 v5, $0x10;
	v18 =	vld.idx.msk [tilespmem:v2+s26+$0x0], $0xffff  }
0x96: {  	v22 =	vand.u32 $0xFFFF, v8;
	v19 =	vld.idx.msk [tilespmem:v12+s26+$0x0], $0xffff  }
0x97: {  	v24 =	vshra.s32 v8, $0x10;
	v21 =	vld.idx.msk [tilespmem:v14+s26+$0x0], $0xffff  }
0x98: {  	v20 =	vand.u32 $0xFFFF, v5;
	v5 =	vld.idx.msk [tilespmem:v7+s26+$0x0], $0xffff  }
0x99: {  	v23 =	vld.idx.msk [tilespmem:v3+s26+$0x0], $0xffff  }
0x9a: {  	v25 =	vld.idx.msk [tilespmem:v60+s26+$0x0], $0xffff;
	v1 =	vmul.f32 v13, v1  }
0x9b: {  	s9 =	simm.s32 $0x16080;
	v26 =	vld.idx.msk [tilespmem:v22+s26+$0x0], $0xffff  }
0x9c: {  	v61 =	vld.idx.msk [tilespmem:v24+s26+$0x0], $0xffff;
	[tilespmem:s9+$0xFFFFFFF0] =	vst v1  }
0x9d: {  	v5 =	vmul.f32 v5, v21;
	v4 =	vld.idx.msk [tilespmem:v4+s28+$0x0], $0xffff  }
0x9e: {  	v8 =	vld.idx.msk [tilespmem:v0+s28+$0x0], $0xffff  }
0x9f: {  	v15 =	vmul.f32 v16, v15;
	v1 =	vand.u32 $0xFFFF, v10;
	[tilespmem:s9+$0xFFFFFF80] =	vst v5;
	v0 =	vshra.s32 v10, $0x10;
	v10 =	vld.idx.msk [tilespmem:v20+s26+$0x0], $0xffff  }
0xa0: {  	v14 =	vld.idx.msk [tilespmem:v14+s28+$0x0], $0xffff  }
0xa1: {  	[tilespmem:s9+$0xFFFFFF90] =	vst v15;
	v7 =	vld.idx.msk [tilespmem:v7+s28+$0x0], $0xffff  }
0xa2: {  	v6 =	vld.idx.msk [tilespmem:v6+s28+$0x0], $0xffff  }
0xa3: {  	v62 =	vmul.f32 v18, v17;
	v9 =	vld.idx.msk [tilespmem:v9+s28+$0x0], $0xffff  }
0xa4: {  	v63 =	vmul.f32 v23, v19;
	v27 =	vld.idx.msk [tilespmem:v1+s26+$0x0], $0xffff  }
0xa5: {  	[tilespmem:s9+$0xFFFFFFA0] =	vst v62;
	v5 =	vld.idx.msk [tilespmem:v0+s26+$0x0], $0xffff;
	v4 =	vmul.f32 v8, v4  }
0xa6: {  	[tilespmem:s9+$0xFFFFFFB0] =	vst v63;
	v8 =	vld.idx.msk [tilespmem:v11+s28+$0x0], $0xffff;
	v10 =	vmul.f32 v25, v10  }
0xa7: {  	v11 =	vld.idx.msk [tilespmem:v2+s28+$0x0], $0xffff;
	[tilespmem:s9+$0x70] =	vst v4;
	v4 =	vmul.f32 v61, v26  }
0xa8: {  	v2 =	vld.idx.msk [tilespmem:v12+s28+$0x0], $0xffff;
	[tilespmem:s9+$0xFFFFFFC0] =	vst v10  }
0xa9: {  	[tilespmem:s9+$0xFFFFFFD0] =	vst v4;
	v4 =	vmul.f32 v7, v14;
	v7 =	vmul.f32 v9, v6;
	v6 =	vld.idx.msk [tilespmem:v60+s28+$0x0], $0xffff  }
0xaa: {  	v10 =	vmul.f32 v5, v27;
	v5 =	vld.idx.msk [tilespmem:v3+s28+$0x0], $0xffff  }
0xab: {  	v3 =	vld.idx.msk [tilespmem:v20+s28+$0x0], $0xffff;
	[tilespmem:s9+$0x0] =	vst v4  }
0xac: {  	v4 =	vld.idx.msk [tilespmem:v22+s28+$0x0], $0xffff;
	[tilespmem:s9+$0x10] =	vst v7  }
0xad: {  	s10 =	simm.s32 $0x0;
	s13 =	simm.s32 $0xC0;
	v8 =	vmul.f32 v11, v8;
	v7 =	vld.idx.msk [tilespmem:v24+s28+$0x0], $0xffff;
	[tilespmem:s9+$0xFFFFFFE0] =	vst v10  }
.LBB2_4:
0xae: {  	v9 =	vld [tilespmem:s13+$0x30]  }
0xaf: {  	v2 =	vmul.f32 v5, v2;
	v10 =	vld [tilespmem:s13+$0xFFFFFFD0];
	[tilespmem:s9+$0x20] =	vst v8  }
0xb0: {  	s10 =	sadd.s32 $0x8, s10;
	v5 =	vld [tilespmem:s13+$0xFFFFFFE0]  }
0xb1: {  	p0 =	slt.u32 s10, $0x1F8;
	v8 =	vld [tilespmem:s13+$0xFFFFFFF0];
	[tilespmem:s9+$0x30] =	vst v2;
	v2 =	vmul.f32 v6, v3  }
0xb2: {  	v3 =	vld [tilespmem:s13+$0x0]  }
0xb3: {  	v6 =	vld [tilespmem:s13+$0x10];
	v11 =	vand.u32 $0xFFFF, v9;
	[tilespmem:s9+$0x40] =	vst v2;
	v2 =	vmul.f32 v7, v4  }
0xb4: {  	v9 =	vshra.s32 v9, $0x10;
	v4 =	vshra.s32 v10, $0x10;
	v7 =	vand.u32 $0xFFFF, v10;
	v10 =	vld [tilespmem:s13+$0x20]  }
0xb5: {  	v12 =	vld [tilespmem:s13+$0xFFFFFFC0];
	v13 =	vshra.s32 v5, $0x10;
	v5 =	vand.u32 $0xFFFF, v5;
	[tilespmem:s9+$0x50] =	vst v2  }
0xb6: {  	v14 =	vshra.s32 v8, $0x10;
	v2 =	vand.u32 $0xFFFF, v8;
	v8 =	vld.idx.msk [tilespmem:v1+s28+$0x0], $0xffff  }
0xb7: {  	v15 =	vshra.s32 v3, $0x10;
	v3 =	vand.u32 $0xFFFF, v3;
	v16 =	vld.idx.msk [tilespmem:v0+s28+$0x0], $0xffff  }
0xb8: {  	v17 =	vshra.s32 v6, $0x10;
	v18 =	vand.u32 $0xFFFF, v6;
	v6 =	vld.idx.msk [tilespmem:v11+s26+$0x0], $0xffff  }
0xb9: {  	v0 =	vshra.s32 v10, $0x10;
	v1 =	vand.u32 $0xFFFF, v10;
	v10 =	vld.idx.msk [tilespmem:v9+s26+$0x0], $0xffff  }
0xba: {  	v19 =	vshra.s32 v12, $0x10;
	v12 =	vand.u32 $0xFFFF, v12;
	v20 =	vld.idx.msk [tilespmem:v7+s26+$0x0], $0xffff  }
0xbb: {  	v21 =	vld.idx.msk [tilespmem:v4+s26+$0x0], $0xffff  }
0xbc: {  	v22 =	vld.idx.msk [tilespmem:v5+s26+$0x0], $0xffff  }
0xbd: {  	v8 =	vmul.f32 v16, v8;
	v23 =	vld.idx.msk [tilespmem:v13+s26+$0x0], $0xffff  }
0xbe: {  	v16 =	vld.idx.msk [tilespmem:v2+s26+$0x0], $0xffff  }
0xbf: {  	v6 =	vmul.f32 v10, v6;
	v24 =	vld.idx.msk [tilespmem:v12+s26+$0x0], $0xffff;
	[tilespmem:s9+$0x60] =	vst v8  }
0xc0: {  	s9 =	sadd.s32 $0x100, s9;
	v8 =	vld.idx.msk [tilespmem:v19+s26+$0x0], $0xffff  }
0xc1: {  	v10 =	vmul.f32 v21, v20;
	v20 =	vld.idx.msk [tilespmem:v14+s26+$0x0], $0xffff;
	[tilespmem:s9+$0xFFFFFFF0] =	vst v6  }
0xc2: {  	v6 =	vld.idx.msk [tilespmem:v11+s28+$0x0], $0xffff  }
0xc3: {  	[tilespmem:s9+$0xFFFFFF90] =	vst v10;
	v10 =	vmul.f32 v23, v22;
	v9 =	vld.idx.msk [tilespmem:v9+s28+$0x0], $0xffff  }
0xc4: {  	v11 =	vld.idx.msk [tilespmem:v3+s26+$0x0], $0xffff  }
0xc5: {  	[tilespmem:s9+$0xFFFFFFA0] =	vst v10;
	v10 =	vld.idx.msk [tilespmem:v15+s26+$0x0], $0xffff  }
0xc6: {  	v8 =	vmul.f32 v8, v24;
	v21 =	vld.idx.msk [tilespmem:v18+s26+$0x0], $0xffff  }
0xc7: {  	v16 =	vmul.f32 v20, v16;
	v20 =	vld.idx.msk [tilespmem:v17+s26+$0x0], $0xffff  }
0xc8: {  	[tilespmem:s9+$0xFFFFFF80] =	vst v8;
	v8 =	vld.idx.msk [tilespmem:v1+s26+$0x0], $0xffff  }
0xc9: {  	v6 =	vmul.f32 v9, v6;
	[tilespmem:s9+$0xFFFFFFB0] =	vst v16;
	v16 =	vld.idx.msk [tilespmem:v0+s26+$0x0], $0xffff  }
0xca: {  	v9 =	vld.idx.msk [tilespmem:v12+s28+$0x0], $0xffff  }
0xcb: {  	v10 =	vmul.f32 v10, v11;
	v12 =	vld.idx.msk [tilespmem:v19+s28+$0x0], $0xffff;
	[tilespmem:s9+$0x70] =	vst v6  }
0xcc: {  	v6 =	vld.idx.msk [tilespmem:v7+s28+$0x0], $0xffff  }
0xcd: {  	v7 =	vmul.f32 v20, v21;
	v4 =	vld.idx.msk [tilespmem:v4+s28+$0x0], $0xffff;
	[tilespmem:s9+$0xFFFFFFC0] =	vst v10  }
0xce: {  	v10 =	vld.idx.msk [tilespmem:v5+s28+$0x0], $0xffff  }
0xcf: {  	v11 =	vld.idx.msk [tilespmem:v13+s28+$0x0], $0xffff;
	[tilespmem:s9+$0xFFFFFFD0] =	vst v7;
	v7 =	vmul.f32 v16, v8  }
0xd0: {  	v2 =	vld.idx.msk [tilespmem:v2+s28+$0x0], $0xffff  }
.Ltmp1:
0xd1: {  	v8 =	vmul.f32 v12, v9;
	v5 =	vld.idx.msk [tilespmem:v14+s28+$0x0], $0xffff;
	[tilespmem:s9+$0xFFFFFFE0] =	vst v7;
	(pc) =	sbr.rel @p0 .LBB2_4-.Ltmp1, $4  }
0xd2: {  	v3 =	vld.idx.msk [tilespmem:v3+s28+$0x0], $0xffff  }
0xd3: {  	v7 =	vmul.f32 v4, v6;
	[tilespmem:s9+$0x0] =	vst v8;
	v6 =	vld.idx.msk [tilespmem:v15+s28+$0x0], $0xffff  }
0xd4: {  	v4 =	vld.idx.msk [tilespmem:v18+s28+$0x0], $0xffff  }
0xd5: {  	s13 =	sadd.s32 $0x80, s13;
	v8 =	vmul.f32 v11, v10;
	[tilespmem:s9+$0x10] =	vst v7;
	v7 =	vld.idx.msk [tilespmem:v17+s28+$0x0], $0xffff  }
0xd6: {  	_ =	sdelay $0x3  }
0xd7: {  	v1 =	vld.idx.msk [tilespmem:v1+s28+$0x0], $0xffff  }
0xd8: {  	v0 =	vld.idx.msk [tilespmem:v0+s28+$0x0], $0xffff;
	_ =	sdelay $0x1  }
0xd9: {  	v2 =	vmul.f32 v5, v2  }
0xda: {  	[tilespmem:s9+$0x20] =	vst v8;
	v3 =	vmul.f32 v6, v3  }
0xdb: {  	[tilespmem:s9+$0x30] =	vst v2;
	v63 =	vmul.f32 v7, v4  }
0xdc: {  	[tilespmem:s9+$0x40] =	vst v3;
	v0 =	vmul.f32 v0, v1  }
0xdd: {  	[tilespmem:s9+$0x50] =	vst v63  }
0xde: {  	[tilespmem:s9+$0x60] =	vst v0  }
0xdf: {  	s9 =	rddreg [dreg:$0xa]  }
0xe0: {  	[hbm4b:s9+s30] =	stream.strided.scatter [tilespmem:s0], [sflag:$0x4], $0x4000, s23, s30, $0x38;
	[tilespmem:$0x1A000] =	vst v63  }
0xe1: {  	s16 =	rddreg [dreg:$0xb]  }
0xe2: {  	[tilespmem:s26], [sflag:$0x2] =	stream.strided.gather [hbm4b:s16+s22], $0x4000, s23, s22, $0x38;
	[tilespmem:$0x1A000] =	vst v63  }
0xe3: {  	s17 =	rddreg [dreg:$0xc];
	s9 =	simm.s32 $0x1  }
0xe4: {  	[tilespmem:s28], [sflag:$0x2] =	stream.strided.gather [hbm4b:s17+s22], $0x4000, s23, s22, $0x38;
	[tilespmem:$0x1A000] =	vst v63  }
.LBB2_6:
0xe5: {  	_ =	swait.ge [sflag:s29], $0x4000  }
0xe6: {  	[sflag:s29] =	ssyncset.done $0x0  }
0xe7: {  	[sflag:s29] =	ssyncadd.s32 $0xFFFFC000  }
0xe8: {  	_ =	swait.ge [sflag:s29], $0x4000  }
0xe9: {  	[sflag:s29] =	ssyncset.done $0x0  }
0xea: {  	[sflag:s29] =	ssyncadd.s32 $0xFFFFC000  }
0xeb: {  	_ =	swait.ge [sflag:s4], $0x4000  }
0xec: {  	[sflag:s4] =	ssyncset.done $0x0  }
0xed: {  	s10 =	simm.s32 $0x40;
	[sflag:s4] =	ssyncadd.s32 $0xFFFFC000  }
0xee: {  	v0 =	vld [tilespmem:s10+$0x30];
	_ =	sdelay $0x1  }
0xef: {  	v1 =	vld [tilespmem:s10+$0xFFFFFFD0];
	_ =	sdelay $0x1  }
0xf0: {  	v2 =	vld [tilespmem:s10+$0xFFFFFFE0]  }
0xf1: {  	v3 =	vld [tilespmem:s10+$0xFFFFFFF0];
	v4 =	vand.u32 $0xFFFF, v0  }
0xf2: {  	v5 =	vld [tilespmem:s10+$0x0];
	v0 =	vshra.s32 v0, $0x10  }
0xf3: {  	v7 =	vld [tilespmem:s10+$0xFFFFFFC0];
	v6 =	vand.u32 $0xFFFF, v1  }
0xf4: {  	v8 =	vld [tilespmem:s10+$0x10];
	v9 =	vshra.s32 v1, $0x10  }
0xf5: {  	v10 =	vld [tilespmem:s10+$0x20];
	v11 =	vand.u32 $0xFFFF, v2  }
0xf6: {  	v2 =	vshra.s32 v2, $0x10;
	v1 =	vld.idx.msk [tilespmem:v4+s24+$0x0], $0xffff  }
0xf7: {  	v12 =	vand.u32 $0xFFFF, v3;
	v13 =	vld.idx.msk [tilespmem:v0+s24+$0x0], $0xffff  }
0xf8: {  	v14 =	vand.u32 $0xFFFF, v7;
	v15 =	vld.idx.msk [tilespmem:v6+s24+$0x0], $0xffff  }
0xf9: {  	v7 =	vshra.s32 v7, $0x10;
	v16 =	vld.idx.msk [tilespmem:v9+s24+$0x0], $0xffff  }
0xfa: {  	v3 =	vshra.s32 v3, $0x10;
	v17 =	vld.idx.msk [tilespmem:v11+s24+$0x0], $0xffff  }
0xfb: {  	v60 =	vshra.s32 v5, $0x10;
	v18 =	vld.idx.msk [tilespmem:v2+s24+$0x0], $0xffff  }
0xfc: {  	v22 =	vand.u32 $0xFFFF, v8;
	v19 =	vld.idx.msk [tilespmem:v12+s24+$0x0], $0xffff  }
0xfd: {  	v24 =	vshra.s32 v8, $0x10;
	v21 =	vld.idx.msk [tilespmem:v14+s24+$0x0], $0xffff  }
0xfe: {  	v20 =	vand.u32 $0xFFFF, v5;
	v5 =	vld.idx.msk [tilespmem:v7+s24+$0x0], $0xffff  }
0xff: {  	v23 =	vld.idx.msk [tilespmem:v3+s24+$0x0], $0xffff  }
0x100: {  	v25 =	vld.idx.msk [tilespmem:v60+s24+$0x0], $0xffff;
	v1 =	vmul.f32 v13, v1  }
0x101: {  	s10 =	simm.s32 $0x12080;
	v26 =	vld.idx.msk [tilespmem:v22+s24+$0x0], $0xffff  }
0x102: {  	v61 =	vld.idx.msk [tilespmem:v24+s24+$0x0], $0xffff;
	[tilespmem:s10+$0xFFFFFFF0] =	vst v1  }
0x103: {  	v5 =	vmul.f32 v5, v21;
	v4 =	vld.idx.msk [tilespmem:v4+s25+$0x0], $0xffff  }
0x104: {  	v8 =	vld.idx.msk [tilespmem:v0+s25+$0x0], $0xffff  }
0x105: {  	v15 =	vmul.f32 v16, v15;
	v1 =	vand.u32 $0xFFFF, v10;
	[tilespmem:s10+$0xFFFFFF80] =	vst v5;
	v0 =	vshra.s32 v10, $0x10;
	v10 =	vld.idx.msk [tilespmem:v20+s24+$0x0], $0xffff  }
0x106: {  	v14 =	vld.idx.msk [tilespmem:v14+s25+$0x0], $0xffff  }
0x107: {  	[tilespmem:s10+$0xFFFFFF90] =	vst v15;
	v7 =	vld.idx.msk [tilespmem:v7+s25+$0x0], $0xffff  }
0x108: {  	v6 =	vld.idx.msk [tilespmem:v6+s25+$0x0], $0xffff  }
0x109: {  	v62 =	vmul.f32 v18, v17;
	v9 =	vld.idx.msk [tilespmem:v9+s25+$0x0], $0xffff  }
0x10a: {  	v63 =	vmul.f32 v23, v19;
	v27 =	vld.idx.msk [tilespmem:v1+s24+$0x0], $0xffff  }
0x10b: {  	[tilespmem:s10+$0xFFFFFFA0] =	vst v62;
	v5 =	vld.idx.msk [tilespmem:v0+s24+$0x0], $0xffff;
	v4 =	vmul.f32 v8, v4  }
0x10c: {  	[tilespmem:s10+$0xFFFFFFB0] =	vst v63;
	v8 =	vld.idx.msk [tilespmem:v11+s25+$0x0], $0xffff;
	v10 =	vmul.f32 v25, v10  }
0x10d: {  	v11 =	vld.idx.msk [tilespmem:v2+s25+$0x0], $0xffff;
	[tilespmem:s10+$0x70] =	vst v4;
	v4 =	vmul.f32 v61, v26  }
0x10e: {  	v2 =	vld.idx.msk [tilespmem:v12+s25+$0x0], $0xffff;
	[tilespmem:s10+$0xFFFFFFC0] =	vst v10  }
0x10f: {  	[tilespmem:s10+$0xFFFFFFD0] =	vst v4;
	v4 =	vmul.f32 v7, v14;
	v7 =	vmul.f32 v9, v6;
	v6 =	vld.idx.msk [tilespmem:v60+s25+$0x0], $0xffff  }
0x110: {  	v10 =	vmul.f32 v5, v27;
	v5 =	vld.idx.msk [tilespmem:v3+s25+$0x0], $0xffff  }
0x111: {  	v3 =	vld.idx.msk [tilespmem:v20+s25+$0x0], $0xffff;
	[tilespmem:s10+$0x0] =	vst v4  }
0x112: {  	v4 =	vld.idx.msk [tilespmem:v22+s25+$0x0], $0xffff;
	[tilespmem:s10+$0x10] =	vst v7  }
0x113: {  	s13 =	simm.s32 $0x0;
	s14 =	simm.s32 $0xC0;
	v8 =	vmul.f32 v11, v8;
	v7 =	vld.idx.msk [tilespmem:v24+s25+$0x0], $0xffff;
	[tilespmem:s10+$0xFFFFFFE0] =	vst v10  }
.LBB2_7:
0x114: {  	v9 =	vld [tilespmem:s14+$0x30]  }
0x115: {  	v2 =	vmul.f32 v5, v2;
	v10 =	vld [tilespmem:s14+$0xFFFFFFD0];
	[tilespmem:s10+$0x20] =	vst v8  }
0x116: {  	s13 =	sadd.s32 $0x8, s13;
	v5 =	vld [tilespmem:s14+$0xFFFFFFE0]  }
0x117: {  	p0 =	slt.u32 s13, $0x1F8;
	v8 =	vld [tilespmem:s14+$0xFFFFFFF0];
	[tilespmem:s10+$0x30] =	vst v2;
	v2 =	vmul.f32 v6, v3  }
0x118: {  	v3 =	vld [tilespmem:s14+$0x0]  }
0x119: {  	v6 =	vld [tilespmem:s14+$0x10];
	v11 =	vand.u32 $0xFFFF, v9;
	[tilespmem:s10+$0x40] =	vst v2;
	v2 =	vmul.f32 v7, v4  }
0x11a: {  	v9 =	vshra.s32 v9, $0x10;
	v4 =	vshra.s32 v10, $0x10;
	v7 =	vand.u32 $0xFFFF, v10;
	v10 =	vld [tilespmem:s14+$0x20]  }
0x11b: {  	v12 =	vld [tilespmem:s14+$0xFFFFFFC0];
	v13 =	vshra.s32 v5, $0x10;
	v5 =	vand.u32 $0xFFFF, v5;
	[tilespmem:s10+$0x50] =	vst v2  }
0x11c: {  	v14 =	vshra.s32 v8, $0x10;
	v2 =	vand.u32 $0xFFFF, v8;
	v8 =	vld.idx.msk [tilespmem:v1+s25+$0x0], $0xffff  }
0x11d: {  	v15 =	vshra.s32 v3, $0x10;
	v3 =	vand.u32 $0xFFFF, v3;
	v16 =	vld.idx.msk [tilespmem:v0+s25+$0x0], $0xffff  }
0x11e: {  	v17 =	vshra.s32 v6, $0x10;
	v18 =	vand.u32 $0xFFFF, v6;
	v6 =	vld.idx.msk [tilespmem:v11+s24+$0x0], $0xffff  }
0x11f: {  	v0 =	vshra.s32 v10, $0x10;
	v1 =	vand.u32 $0xFFFF, v10;
	v10 =	vld.idx.msk [tilespmem:v9+s24+$0x0], $0xffff  }
0x120: {  	v19 =	vshra.s32 v12, $0x10;
	v12 =	vand.u32 $0xFFFF, v12;
	v20 =	vld.idx.msk [tilespmem:v7+s24+$0x0], $0xffff  }
0x121: {  	v21 =	vld.idx.msk [tilespmem:v4+s24+$0x0], $0xffff  }
0x122: {  	v22 =	vld.idx.msk [tilespmem:v5+s24+$0x0], $0xffff  }
0x123: {  	v8 =	vmul.f32 v16, v8;
	v23 =	vld.idx.msk [tilespmem:v13+s24+$0x0], $0xffff  }
0x124: {  	v16 =	vld.idx.msk [tilespmem:v2+s24+$0x0], $0xffff  }
0x125: {  	v6 =	vmul.f32 v10, v6;
	v24 =	vld.idx.msk [tilespmem:v12+s24+$0x0], $0xffff;
	[tilespmem:s10+$0x60] =	vst v8  }
0x126: {  	s10 =	sadd.s32 $0x100, s10;
	v8 =	vld.idx.msk [tilespmem:v19+s24+$0x0], $0xffff  }
0x127: {  	v10 =	vmul.f32 v21, v20;
	v20 =	vld.idx.msk [tilespmem:v14+s24+$0x0], $0xffff;
	[tilespmem:s10+$0xFFFFFFF0] =	vst v6  }
0x128: {  	v6 =	vld.idx.msk [tilespmem:v11+s25+$0x0], $0xffff  }
0x129: {  	[tilespmem:s10+$0xFFFFFF90] =	vst v10;
	v10 =	vmul.f32 v23, v22;
	v9 =	vld.idx.msk [tilespmem:v9+s25+$0x0], $0xffff  }
0x12a: {  	v11 =	vld.idx.msk [tilespmem:v3+s24+$0x0], $0xffff  }
0x12b: {  	[tilespmem:s10+$0xFFFFFFA0] =	vst v10;
	v10 =	vld.idx.msk [tilespmem:v15+s24+$0x0], $0xffff  }
0x12c: {  	v8 =	vmul.f32 v8, v24;
	v21 =	vld.idx.msk [tilespmem:v18+s24+$0x0], $0xffff  }
0x12d: {  	v16 =	vmul.f32 v20, v16;
	v20 =	vld.idx.msk [tilespmem:v17+s24+$0x0], $0xffff  }
0x12e: {  	[tilespmem:s10+$0xFFFFFF80] =	vst v8;
	v8 =	vld.idx.msk [tilespmem:v1+s24+$0x0], $0xffff  }
0x12f: {  	v6 =	vmul.f32 v9, v6;
	[tilespmem:s10+$0xFFFFFFB0] =	vst v16;
	v16 =	vld.idx.msk [tilespmem:v0+s24+$0x0], $0xffff  }
0x130: {  	v9 =	vld.idx.msk [tilespmem:v12+s25+$0x0], $0xffff  }
0x131: {  	v10 =	vmul.f32 v10, v11;
	v12 =	vld.idx.msk [tilespmem:v19+s25+$0x0], $0xffff;
	[tilespmem:s10+$0x70] =	vst v6  }
0x132: {  	v6 =	vld.idx.msk [tilespmem:v7+s25+$0x0], $0xffff  }
0x133: {  	v7 =	vmul.f32 v20, v21;
	v4 =	vld.idx.msk [tilespmem:v4+s25+$0x0], $0xffff;
	[tilespmem:s10+$0xFFFFFFC0] =	vst v10  }
0x134: {  	v10 =	vld.idx.msk [tilespmem:v5+s25+$0x0], $0xffff  }
0x135: {  	v11 =	vld.idx.msk [tilespmem:v13+s25+$0x0], $0xffff;
	[tilespmem:s10+$0xFFFFFFD0] =	vst v7;
	v7 =	vmul.f32 v16, v8  }
0x136: {  	v2 =	vld.idx.msk [tilespmem:v2+s25+$0x0], $0xffff  }
.Ltmp2:
0x137: {  	v8 =	vmul.f32 v12, v9;
	v5 =	vld.idx.msk [tilespmem:v14+s25+$0x0], $0xffff;
	[tilespmem:s10+$0xFFFFFFE0] =	vst v7;
	(pc) =	sbr.rel @p0 .LBB2_7-.Ltmp2, $4  }
0x138: {  	v3 =	vld.idx.msk [tilespmem:v3+s25+$0x0], $0xffff  }
0x139: {  	v7 =	vmul.f32 v4, v6;
	[tilespmem:s10+$0x0] =	vst v8;
	v6 =	vld.idx.msk [tilespmem:v15+s25+$0x0], $0xffff  }
0x13a: {  	v4 =	vld.idx.msk [tilespmem:v18+s25+$0x0], $0xffff  }
0x13b: {  	s14 =	sadd.s32 $0x80, s14;
	v8 =	vmul.f32 v11, v10;
	[tilespmem:s10+$0x10] =	vst v7;
	v7 =	vld.idx.msk [tilespmem:v17+s25+$0x0], $0xffff  }
0x13c: {  	_ =	sdelay $0x3  }
0x13d: {  	v1 =	vld.idx.msk [tilespmem:v1+s25+$0x0], $0xffff  }
0x13e: {  	v0 =	vld.idx.msk [tilespmem:v0+s25+$0x0], $0xffff;
	_ =	sdelay $0x1  }
0x13f: {  	v2 =	vmul.f32 v5, v2  }
0x140: {  	[tilespmem:s10+$0x20] =	vst v8;
	v3 =	vmul.f32 v6, v3  }
0x141: {  	s13 =	sshll.u32 s9, $0x6;
	s14 =	sshll.u32 s9, $0xC;
	[tilespmem:s10+$0x30] =	vst v2;
	v2 =	vmul.f32 v7, v4  }
0x142: {  	s13 =	sand.u32 $0x40, s13;
	s14 =	sand.u32 $0x1E000, s14;
	[tilespmem:s10+$0x40] =	vst v3;
	v0 =	vmul.f32 v0, v1  }
0x143: {  	s14 =	sor.u32 s11, s14;
	s15 =	sadd.s32 s3, s13;
	[tilespmem:s10+$0x50] =	vst v2  }
0x144: {  	s15 =	sadd.s32 s14, s15;
	[tilespmem:s10+$0x60] =	vst v0;
	s10 =	sshll.u32 s9, $0x2  }
0x145: {  	[hbm4b:s15+s30] =	stream.strided.scatter [tilespmem:s31], [sflag:$0x3], $0x4000, s23, s30, $0x38;
	[tilespmem:$0x1A000] =	vst v63  }
0x146: {  	s17 =	sadd.s32 $0x4, s10  }
0x147: {  	s16 =	sadd.s32 s5, s17;
	s15 =	sshll.u32 s17, $0x4  }
0x148: {  	s16 =	sshll.u32 s16, $0xB;
	s15 =	sand.u32 $0x40, s15  }
0x149: {  	s16 =	sand.u32 $0xFFC000, s16;
	s15 =	sadd.s32 s1, s15  }
0x14a: {  	s15 =	sadd.s32 s16, s15  }
0x14b: {  	[tilespmem:s24], [sflag:$0x1] =	stream.strided.gather [hbm4b:s15+s22], $0x4000, s23, s22, $0x38;
	[tilespmem:$0x1A000] =	vst v63  }
0x14c: {  	s15 =	sadd.s32 $0x10, s15  }
0x14d: {  	[tilespmem:s25], [sflag:$0x1] =	stream.strided.gather [hbm4b:s15+s22], $0x4000, s23, s22, $0x38;
	[tilespmem:$0x1A000] =	vst v63  }
0x14e: {  	_ =	swait.ge [sflag:s2], $0x4000  }
0x14f: {  	[sflag:s2] =	ssyncset.done $0x0  }
0x150: {  	[sflag:s2] =	ssyncadd.s32 $0xFFFFC000  }
0x151: {  	_ =	swait.ge [sflag:s2], $0x4000  }
0x152: {  	[sflag:s2] =	ssyncset.done $0x0  }
0x153: {  	[sflag:s2] =	ssyncadd.s32 $0xFFFFC000  }
0x154: {  	_ =	swait.ge [sflag:s7], $0x4000  }
0x155: {  	[sflag:s7] =	ssyncset.done $0x0  }
0x156: {  	s17 =	simm.s32 $0x40;
	[sflag:s7] =	ssyncadd.s32 $0xFFFFC000  }
0x157: {  	v0 =	vld [tilespmem:s17+$0x30];
	_ =	sdelay $0x1  }
0x158: {  	v1 =	vld [tilespmem:s17+$0xFFFFFFD0];
	_ =	sdelay $0x1  }
0x159: {  	v2 =	vld [tilespmem:s17+$0xFFFFFFE0]  }
0x15a: {  	v3 =	vld [tilespmem:s17+$0xFFFFFFF0];
	v4 =	vand.u32 $0xFFFF, v0  }
0x15b: {  	v5 =	vld [tilespmem:s17+$0x0];
	v0 =	vshra.s32 v0, $0x10  }
0x15c: {  	v7 =	vld [tilespmem:s17+$0xFFFFFFC0];
	v6 =	vand.u32 $0xFFFF, v1  }
0x15d: {  	v8 =	vld [tilespmem:s17+$0x10];
	v9 =	vshra.s32 v1, $0x10  }
0x15e: {  	v10 =	vld [tilespmem:s17+$0x20];
	v11 =	vand.u32 $0xFFFF, v2  }
0x15f: {  	v2 =	vshra.s32 v2, $0x10;
	v1 =	vld.idx.msk [tilespmem:v4+s26+$0x0], $0xffff  }
0x160: {  	v12 =	vand.u32 $0xFFFF, v3;
	v13 =	vld.idx.msk [tilespmem:v0+s26+$0x0], $0xffff  }
0x161: {  	v14 =	vand.u32 $0xFFFF, v7;
	v15 =	vld.idx.msk [tilespmem:v6+s26+$0x0], $0xffff  }
0x162: {  	v7 =	vshra.s32 v7, $0x10;
	v16 =	vld.idx.msk [tilespmem:v9+s26+$0x0], $0xffff  }
0x163: {  	v3 =	vshra.s32 v3, $0x10;
	v17 =	vld.idx.msk [tilespmem:v11+s26+$0x0], $0xffff  }
0x164: {  	v60 =	vshra.s32 v5, $0x10;
	v18 =	vld.idx.msk [tilespmem:v2+s26+$0x0], $0xffff  }
0x165: {  	v22 =	vand.u32 $0xFFFF, v8;
	v19 =	vld.idx.msk [tilespmem:v12+s26+$0x0], $0xffff  }
0x166: {  	v24 =	vshra.s32 v8, $0x10;
	v21 =	vld.idx.msk [tilespmem:v14+s26+$0x0], $0xffff  }
0x167: {  	v20 =	vand.u32 $0xFFFF, v5;
	v5 =	vld.idx.msk [tilespmem:v7+s26+$0x0], $0xffff  }
0x168: {  	v23 =	vld.idx.msk [tilespmem:v3+s26+$0x0], $0xffff  }
0x169: {  	v25 =	vld.idx.msk [tilespmem:v60+s26+$0x0], $0xffff;
	v1 =	vmul.f32 v13, v1  }
0x16a: {  	s15 =	simm.s32 $0x16080;
	v26 =	vld.idx.msk [tilespmem:v22+s26+$0x0], $0xffff  }
0x16b: {  	v61 =	vld.idx.msk [tilespmem:v24+s26+$0x0], $0xffff;
	[tilespmem:s15+$0xFFFFFFF0] =	vst v1  }
0x16c: {  	v5 =	vmul.f32 v5, v21;
	v4 =	vld.idx.msk [tilespmem:v4+s28+$0x0], $0xffff  }
0x16d: {  	v8 =	vld.idx.msk [tilespmem:v0+s28+$0x0], $0xffff  }
0x16e: {  	v15 =	vmul.f32 v16, v15;
	v1 =	vand.u32 $0xFFFF, v10;
	[tilespmem:s15+$0xFFFFFF80] =	vst v5;
	v0 =	vshra.s32 v10, $0x10;
	v10 =	vld.idx.msk [tilespmem:v20+s26+$0x0], $0xffff  }
0x16f: {  	v14 =	vld.idx.msk [tilespmem:v14+s28+$0x0], $0xffff  }
0x170: {  	[tilespmem:s15+$0xFFFFFF90] =	vst v15;
	v7 =	vld.idx.msk [tilespmem:v7+s28+$0x0], $0xffff  }
0x171: {  	v6 =	vld.idx.msk [tilespmem:v6+s28+$0x0], $0xffff  }
0x172: {  	v62 =	vmul.f32 v18, v17;
	v9 =	vld.idx.msk [tilespmem:v9+s28+$0x0], $0xffff  }
0x173: {  	v63 =	vmul.f32 v23, v19;
	v27 =	vld.idx.msk [tilespmem:v1+s26+$0x0], $0xffff  }
0x174: {  	[tilespmem:s15+$0xFFFFFFA0] =	vst v62;
	v5 =	vld.idx.msk [tilespmem:v0+s26+$0x0], $0xffff;
	v4 =	vmul.f32 v8, v4  }
0x175: {  	[tilespmem:s15+$0xFFFFFFB0] =	vst v63;
	v8 =	vld.idx.msk [tilespmem:v11+s28+$0x0], $0xffff;
	v10 =	vmul.f32 v25, v10  }
0x176: {  	v11 =	vld.idx.msk [tilespmem:v2+s28+$0x0], $0xffff;
	[tilespmem:s15+$0x70] =	vst v4;
	v4 =	vmul.f32 v61, v26  }
0x177: {  	v2 =	vld.idx.msk [tilespmem:v12+s28+$0x0], $0xffff;
	[tilespmem:s15+$0xFFFFFFC0] =	vst v10  }
0x178: {  	[tilespmem:s15+$0xFFFFFFD0] =	vst v4;
	v4 =	vmul.f32 v7, v14;
	v7 =	vmul.f32 v9, v6;
	v6 =	vld.idx.msk [tilespmem:v60+s28+$0x0], $0xffff  }
0x179: {  	v10 =	vmul.f32 v5, v27;
	v5 =	vld.idx.msk [tilespmem:v3+s28+$0x0], $0xffff  }
0x17a: {  	v3 =	vld.idx.msk [tilespmem:v20+s28+$0x0], $0xffff;
	[tilespmem:s15+$0x0] =	vst v4  }
0x17b: {  	v4 =	vld.idx.msk [tilespmem:v22+s28+$0x0], $0xffff;
	[tilespmem:s15+$0x10] =	vst v7  }
0x17c: {  	s16 =	simm.s32 $0x0;
	s17 =	simm.s32 $0xC0;
	v8 =	vmul.f32 v11, v8;
	v7 =	vld.idx.msk [tilespmem:v24+s28+$0x0], $0xffff;
	[tilespmem:s15+$0xFFFFFFE0] =	vst v10  }
.LBB2_9:
0x17d: {  	v9 =	vld [tilespmem:s17+$0x30]  }
0x17e: {  	v2 =	vmul.f32 v5, v2;
	v10 =	vld [tilespmem:s17+$0xFFFFFFD0];
	[tilespmem:s15+$0x20] =	vst v8  }
0x17f: {  	s16 =	sadd.s32 $0x8, s16;
	v5 =	vld [tilespmem:s17+$0xFFFFFFE0]  }
0x180: {  	p0 =	slt.u32 s16, $0x1F8;
	v8 =	vld [tilespmem:s17+$0xFFFFFFF0];
	[tilespmem:s15+$0x30] =	vst v2;
	v2 =	vmul.f32 v6, v3  }
0x181: {  	v3 =	vld [tilespmem:s17+$0x0]  }
0x182: {  	v6 =	vld [tilespmem:s17+$0x10];
	v11 =	vand.u32 $0xFFFF, v9;
	[tilespmem:s15+$0x40] =	vst v2;
	v2 =	vmul.f32 v7, v4  }
0x183: {  	v9 =	vshra.s32 v9, $0x10;
	v4 =	vshra.s32 v10, $0x10;
	v7 =	vand.u32 $0xFFFF, v10;
	v10 =	vld [tilespmem:s17+$0x20]  }
0x184: {  	v12 =	vld [tilespmem:s17+$0xFFFFFFC0];
	v13 =	vshra.s32 v5, $0x10;
	v5 =	vand.u32 $0xFFFF, v5;
	[tilespmem:s15+$0x50] =	vst v2  }
0x185: {  	v14 =	vshra.s32 v8, $0x10;
	v2 =	vand.u32 $0xFFFF, v8;
	v8 =	vld.idx.msk [tilespmem:v1+s28+$0x0], $0xffff  }
0x186: {  	v15 =	vshra.s32 v3, $0x10;
	v3 =	vand.u32 $0xFFFF, v3;
	v16 =	vld.idx.msk [tilespmem:v0+s28+$0x0], $0xffff  }
0x187: {  	v17 =	vshra.s32 v6, $0x10;
	v18 =	vand.u32 $0xFFFF, v6;
	v6 =	vld.idx.msk [tilespmem:v11+s26+$0x0], $0xffff  }
0x188: {  	v0 =	vshra.s32 v10, $0x10;
	v1 =	vand.u32 $0xFFFF, v10;
	v10 =	vld.idx.msk [tilespmem:v9+s26+$0x0], $0xffff  }
0x189: {  	v19 =	vshra.s32 v12, $0x10;
	v12 =	vand.u32 $0xFFFF, v12;
	v20 =	vld.idx.msk [tilespmem:v7+s26+$0x0], $0xffff  }
0x18a: {  	v21 =	vld.idx.msk [tilespmem:v4+s26+$0x0], $0xffff  }
0x18b: {  	v22 =	vld.idx.msk [tilespmem:v5+s26+$0x0], $0xffff  }
0x18c: {  	v8 =	vmul.f32 v16, v8;
	v23 =	vld.idx.msk [tilespmem:v13+s26+$0x0], $0xffff  }
0x18d: {  	v16 =	vld.idx.msk [tilespmem:v2+s26+$0x0], $0xffff  }
0x18e: {  	v6 =	vmul.f32 v10, v6;
	v24 =	vld.idx.msk [tilespmem:v12+s26+$0x0], $0xffff;
	[tilespmem:s15+$0x60] =	vst v8  }
0x18f: {  	s15 =	sadd.s32 $0x100, s15;
	v8 =	vld.idx.msk [tilespmem:v19+s26+$0x0], $0xffff  }
0x190: {  	v10 =	vmul.f32 v21, v20;
	v20 =	vld.idx.msk [tilespmem:v14+s26+$0x0], $0xffff;
	[tilespmem:s15+$0xFFFFFFF0] =	vst v6  }
0x191: {  	v6 =	vld.idx.msk [tilespmem:v11+s28+$0x0], $0xffff  }
0x192: {  	[tilespmem:s15+$0xFFFFFF90] =	vst v10;
	v10 =	vmul.f32 v23, v22;
	v9 =	vld.idx.msk [tilespmem:v9+s28+$0x0], $0xffff  }
0x193: {  	v11 =	vld.idx.msk [tilespmem:v3+s26+$0x0], $0xffff  }
0x194: {  	[tilespmem:s15+$0xFFFFFFA0] =	vst v10;
	v10 =	vld.idx.msk [tilespmem:v15+s26+$0x0], $0xffff  }
0x195: {  	v8 =	vmul.f32 v8, v24;
	v21 =	vld.idx.msk [tilespmem:v18+s26+$0x0], $0xffff  }
0x196: {  	v16 =	vmul.f32 v20, v16;
	v20 =	vld.idx.msk [tilespmem:v17+s26+$0x0], $0xffff  }
0x197: {  	[tilespmem:s15+$0xFFFFFF80] =	vst v8;
	v8 =	vld.idx.msk [tilespmem:v1+s26+$0x0], $0xffff  }
0x198: {  	v6 =	vmul.f32 v9, v6;
	[tilespmem:s15+$0xFFFFFFB0] =	vst v16;
	v16 =	vld.idx.msk [tilespmem:v0+s26+$0x0], $0xffff  }
0x199: {  	v9 =	vld.idx.msk [tilespmem:v12+s28+$0x0], $0xffff  }
0x19a: {  	v10 =	vmul.f32 v10, v11;
	v12 =	vld.idx.msk [tilespmem:v19+s28+$0x0], $0xffff;
	[tilespmem:s15+$0x70] =	vst v6  }
0x19b: {  	v6 =	vld.idx.msk [tilespmem:v7+s28+$0x0], $0xffff  }
0x19c: {  	v7 =	vmul.f32 v20, v21;
	v4 =	vld.idx.msk [tilespmem:v4+s28+$0x0], $0xffff;
	[tilespmem:s15+$0xFFFFFFC0] =	vst v10  }
0x19d: {  	v10 =	vld.idx.msk [tilespmem:v5+s28+$0x0], $0xffff  }
0x19e: {  	v11 =	vld.idx.msk [tilespmem:v13+s28+$0x0], $0xffff;
	[tilespmem:s15+$0xFFFFFFD0] =	vst v7;
	v7 =	vmul.f32 v16, v8  }
0x19f: {  	v2 =	vld.idx.msk [tilespmem:v2+s28+$0x0], $0xffff  }
.Ltmp3:
0x1a0: {  	v8 =	vmul.f32 v12, v9;
	v5 =	vld.idx.msk [tilespmem:v14+s28+$0x0], $0xffff;
	[tilespmem:s15+$0xFFFFFFE0] =	vst v7;
	(pc) =	sbr.rel @p0 .LBB2_9-.Ltmp3, $4  }
0x1a1: {  	v3 =	vld.idx.msk [tilespmem:v3+s28+$0x0], $0xffff  }
0x1a2: {  	v7 =	vmul.f32 v4, v6;
	[tilespmem:s15+$0x0] =	vst v8;
	v6 =	vld.idx.msk [tilespmem:v15+s28+$0x0], $0xffff  }
0x1a3: {  	v4 =	vld.idx.msk [tilespmem:v18+s28+$0x0], $0xffff  }
0x1a4: {  	s17 =	sadd.s32 $0x80, s17;
	v8 =	vmul.f32 v11, v10;
	[tilespmem:s15+$0x10] =	vst v7;
	v7 =	vld.idx.msk [tilespmem:v17+s28+$0x0], $0xffff  }
0x1a5: {  	_ =	sdelay $0x3  }
0x1a6: {  	v1 =	vld.idx.msk [tilespmem:v1+s28+$0x0], $0xffff  }
0x1a7: {  	v0 =	vld.idx.msk [tilespmem:v0+s28+$0x0], $0xffff;
	_ =	sdelay $0x1  }
0x1a8: {  	v2 =	vmul.f32 v5, v2  }
0x1a9: {  	[tilespmem:s15+$0x20] =	vst v8;
	v3 =	vmul.f32 v6, v3  }
0x1aa: {  	[tilespmem:s15+$0x30] =	vst v2;
	v63 =	vmul.f32 v7, v4  }
0x1ab: {  	s13 =	sadd.s32 s13, s3;
	[tilespmem:s15+$0x40] =	vst v3;
	v0 =	vmul.f32 v0, v1  }
0x1ac: {  	s10 =	sadd.s32 $0x6, s10;
	s9 =	sadd.s32 $0x1, s9;
	s13 =	sadd.s32 s14, s13;
	[tilespmem:s15+$0x50] =	vst v63  }
0x1ad: {  	s17 =	sadd.s32 s5, s10;
	s10 =	sshll.u32 s10, $0x4;
	s13 =	sadd.s32 $0x20, s13;
	[tilespmem:s15+$0x60] =	vst v0  }
0x1ae: {  	[hbm4b:s13+s30] =	stream.strided.scatter [tilespmem:s0], [sflag:$0x4], $0x4000, s23, s30, $0x38;
	[tilespmem:$0x1A000] =	vst v63  }
0x1af: {  	p0 =	sne.s32 s9, $0x1F;
	s10 =	sand.u32 $0x60, s10;
	s13 =	sshll.u32 s17, $0xB  }
.Ltmp4:
0x1b0: {  	s10 =	sadd.s32 s1, s10;
	s13 =	sand.u32 $0xFFC000, s13;
	(pc) =	sbr.rel @p0 .LBB2_6-.Ltmp4, $4  }
0x1b1: {  	s10 =	sadd.s32 s13, s10  }
0x1b2: {  	[tilespmem:s26], [sflag:$0x2] =	stream.strided.gather [hbm4b:s10+s22], $0x4000, s23, s22, $0x38;
	[tilespmem:$0x1A000] =	vst v63  }
0x1b3: {  	s10 =	sadd.s32 $0x10, s10  }
0x1b4: {  	[tilespmem:s28], [sflag:$0x2] =	stream.strided.gather [hbm4b:s10+s22], $0x4000, s23, s22, $0x38;
	[tilespmem:$0x1A000] =	vst v63  }
0x1b5: {  	_ =	swait.ge [sflag:s29], $0x4000  }
0x1b6: {  	[sflag:s29] =	ssyncset.done $0x0  }
0x1b7: {  	[sflag:s29] =	ssyncadd.s32 $0xFFFFC000  }
0x1b8: {  	_ =	swait.ge [sflag:s29], $0x4000  }
0x1b9: {  	[sflag:s29] =	ssyncset.done $0x0  }
0x1ba: {  	[sflag:s29] =	ssyncadd.s32 $0xFFFFC000  }
0x1bb: {  	_ =	swait.ge [sflag:s4], $0x4000  }
0x1bc: {  	[sflag:s4] =	ssyncset.done $0x0  }
0x1bd: {  	s9 =	simm.s32 $0x40;
	[sflag:s4] =	ssyncadd.s32 $0xFFFFC000  }
0x1be: {  	v0 =	vld [tilespmem:s9+$0x30];
	_ =	sdelay $0x1  }
0x1bf: {  	v1 =	vld [tilespmem:s9+$0xFFFFFFD0];
	_ =	sdelay $0x1  }
0x1c0: {  	v2 =	vld [tilespmem:s9+$0xFFFFFFE0]  }
0x1c1: {  	v3 =	vld [tilespmem:s9+$0xFFFFFFF0];
	v4 =	vand.u32 $0xFFFF, v0  }
0x1c2: {  	v5 =	vld [tilespmem:s9+$0x0];
	v0 =	vshra.s32 v0, $0x10  }
0x1c3: {  	v7 =	vld [tilespmem:s9+$0xFFFFFFC0];
	v6 =	vand.u32 $0xFFFF, v1  }
0x1c4: {  	v8 =	vld [tilespmem:s9+$0x10];
	v9 =	vshra.s32 v1, $0x10  }
0x1c5: {  	v10 =	vld [tilespmem:s9+$0x20];
	v11 =	vand.u32 $0xFFFF, v2  }
0x1c6: {  	v2 =	vshra.s32 v2, $0x10;
	v1 =	vld.idx.msk [tilespmem:v4+s24+$0x0], $0xffff  }
0x1c7: {  	v12 =	vand.u32 $0xFFFF, v3;
	v13 =	vld.idx.msk [tilespmem:v0+s24+$0x0], $0xffff  }
0x1c8: {  	v14 =	vand.u32 $0xFFFF, v7;
	v15 =	vld.idx.msk [tilespmem:v6+s24+$0x0], $0xffff  }
0x1c9: {  	v7 =	vshra.s32 v7, $0x10;
	v16 =	vld.idx.msk [tilespmem:v9+s24+$0x0], $0xffff  }
0x1ca: {  	v3 =	vshra.s32 v3, $0x10;
	v17 =	vld.idx.msk [tilespmem:v11+s24+$0x0], $0xffff  }
0x1cb: {  	v60 =	vshra.s32 v5, $0x10;
	v18 =	vld.idx.msk [tilespmem:v2+s24+$0x0], $0xffff  }
0x1cc: {  	v22 =	vand.u32 $0xFFFF, v8;
	v19 =	vld.idx.msk [tilespmem:v12+s24+$0x0], $0xffff  }
0x1cd: {  	v24 =	vshra.s32 v8, $0x10;
	v21 =	vld.idx.msk [tilespmem:v14+s24+$0x0], $0xffff  }
0x1ce: {  	v20 =	vand.u32 $0xFFFF, v5;
	v5 =	vld.idx.msk [tilespmem:v7+s24+$0x0], $0xffff  }
0x1cf: {  	v23 =	vld.idx.msk [tilespmem:v3+s24+$0x0], $0xffff  }
0x1d0: {  	v25 =	vld.idx.msk [tilespmem:v60+s24+$0x0], $0xffff;
	v1 =	vmul.f32 v13, v1  }
0x1d1: {  	s9 =	simm.s32 $0x12080;
	v26 =	vld.idx.msk [tilespmem:v22+s24+$0x0], $0xffff  }
0x1d2: {  	v61 =	vld.idx.msk [tilespmem:v24+s24+$0x0], $0xffff;
	[tilespmem:s9+$0xFFFFFFF0] =	vst v1  }
0x1d3: {  	v5 =	vmul.f32 v5, v21;
	v4 =	vld.idx.msk [tilespmem:v4+s25+$0x0], $0xffff  }
0x1d4: {  	v8 =	vld.idx.msk [tilespmem:v0+s25+$0x0], $0xffff  }
0x1d5: {  	v15 =	vmul.f32 v16, v15;
	v1 =	vand.u32 $0xFFFF, v10;
	[tilespmem:s9+$0xFFFFFF80] =	vst v5;
	v0 =	vshra.s32 v10, $0x10;
	v10 =	vld.idx.msk [tilespmem:v20+s24+$0x0], $0xffff  }
0x1d6: {  	v14 =	vld.idx.msk [tilespmem:v14+s25+$0x0], $0xffff  }
0x1d7: {  	[tilespmem:s9+$0xFFFFFF90] =	vst v15;
	v7 =	vld.idx.msk [tilespmem:v7+s25+$0x0], $0xffff  }
0x1d8: {  	v6 =	vld.idx.msk [tilespmem:v6+s25+$0x0], $0xffff  }
0x1d9: {  	v62 =	vmul.f32 v18, v17;
	v9 =	vld.idx.msk [tilespmem:v9+s25+$0x0], $0xffff  }
0x1da: {  	v63 =	vmul.f32 v23, v19;
	v27 =	vld.idx.msk [tilespmem:v1+s24+$0x0], $0xffff  }
0x1db: {  	[tilespmem:s9+$0xFFFFFFA0] =	vst v62;
	v5 =	vld.idx.msk [tilespmem:v0+s24+$0x0], $0xffff;
	v4 =	vmul.f32 v8, v4  }
0x1dc: {  	[tilespmem:s9+$0xFFFFFFB0] =	vst v63;
	v8 =	vld.idx.msk [tilespmem:v11+s25+$0x0], $0xffff;
	v10 =	vmul.f32 v25, v10  }
0x1dd: {  	v11 =	vld.idx.msk [tilespmem:v2+s25+$0x0], $0xffff;
	[tilespmem:s9+$0x70] =	vst v4;
	v4 =	vmul.f32 v61, v26  }
0x1de: {  	v2 =	vld.idx.msk [tilespmem:v12+s25+$0x0], $0xffff;
	[tilespmem:s9+$0xFFFFFFC0] =	vst v10  }
0x1df: {  	[tilespmem:s9+$0xFFFFFFD0] =	vst v4;
	v4 =	vmul.f32 v7, v14;
	v7 =	vmul.f32 v9, v6;
	v6 =	vld.idx.msk [tilespmem:v60+s25+$0x0], $0xffff  }
0x1e0: {  	v10 =	vmul.f32 v5, v27;
	v5 =	vld.idx.msk [tilespmem:v3+s25+$0x0], $0xffff  }
0x1e1: {  	v3 =	vld.idx.msk [tilespmem:v20+s25+$0x0], $0xffff;
	[tilespmem:s9+$0x0] =	vst v4  }
0x1e2: {  	v4 =	vld.idx.msk [tilespmem:v22+s25+$0x0], $0xffff;
	[tilespmem:s9+$0x10] =	vst v7  }
0x1e3: {  	s10 =	simm.s32 $0x0;
	s13 =	simm.s32 $0xC0;
	v8 =	vmul.f32 v11, v8;
	v7 =	vld.idx.msk [tilespmem:v24+s25+$0x0], $0xffff;
	[tilespmem:s9+$0xFFFFFFE0] =	vst v10  }
.LBB2_12:
0x1e4: {  	v9 =	vld [tilespmem:s13+$0x30]  }
0x1e5: {  	v2 =	vmul.f32 v5, v2;
	v10 =	vld [tilespmem:s13+$0xFFFFFFD0];
	[tilespmem:s9+$0x20] =	vst v8  }
0x1e6: {  	s10 =	sadd.s32 $0x8, s10;
	v5 =	vld [tilespmem:s13+$0xFFFFFFE0]  }
0x1e7: {  	p0 =	slt.u32 s10, $0x1F8;
	v8 =	vld [tilespmem:s13+$0xFFFFFFF0];
	[tilespmem:s9+$0x30] =	vst v2;
	v2 =	vmul.f32 v6, v3  }
0x1e8: {  	v3 =	vld [tilespmem:s13+$0x0]  }
0x1e9: {  	v6 =	vld [tilespmem:s13+$0x10];
	v11 =	vand.u32 $0xFFFF, v9;
	[tilespmem:s9+$0x40] =	vst v2;
	v2 =	vmul.f32 v7, v4  }
0x1ea: {  	v9 =	vshra.s32 v9, $0x10;
	v4 =	vshra.s32 v10, $0x10;
	v7 =	vand.u32 $0xFFFF, v10;
	v10 =	vld [tilespmem:s13+$0x20]  }
0x1eb: {  	v12 =	vld [tilespmem:s13+$0xFFFFFFC0];
	v13 =	vshra.s32 v5, $0x10;
	v5 =	vand.u32 $0xFFFF, v5;
	[tilespmem:s9+$0x50] =	vst v2  }
0x1ec: {  	v14 =	vshra.s32 v8, $0x10;
	v2 =	vand.u32 $0xFFFF, v8;
	v8 =	vld.idx.msk [tilespmem:v1+s25+$0x0], $0xffff  }
0x1ed: {  	v15 =	vshra.s32 v3, $0x10;
	v3 =	vand.u32 $0xFFFF, v3;
	v16 =	vld.idx.msk [tilespmem:v0+s25+$0x0], $0xffff  }
0x1ee: {  	v17 =	vshra.s32 v6, $0x10;
	v18 =	vand.u32 $0xFFFF, v6;
	v6 =	vld.idx.msk [tilespmem:v11+s24+$0x0], $0xffff  }
0x1ef: {  	v0 =	vshra.s32 v10, $0x10;
	v1 =	vand.u32 $0xFFFF, v10;
	v10 =	vld.idx.msk [tilespmem:v9+s24+$0x0], $0xffff  }
0x1f0: {  	v19 =	vshra.s32 v12, $0x10;
	v12 =	vand.u32 $0xFFFF, v12;
	v20 =	vld.idx.msk [tilespmem:v7+s24+$0x0], $0xffff  }
0x1f1: {  	v21 =	vld.idx.msk [tilespmem:v4+s24+$0x0], $0xffff  }
0x1f2: {  	v22 =	vld.idx.msk [tilespmem:v5+s24+$0x0], $0xffff  }
0x1f3: {  	v8 =	vmul.f32 v16, v8;
	v23 =	vld.idx.msk [tilespmem:v13+s24+$0x0], $0xffff  }
0x1f4: {  	v16 =	vld.idx.msk [tilespmem:v2+s24+$0x0], $0xffff  }
0x1f5: {  	v6 =	vmul.f32 v10, v6;
	v24 =	vld.idx.msk [tilespmem:v12+s24+$0x0], $0xffff;
	[tilespmem:s9+$0x60] =	vst v8  }
0x1f6: {  	s9 =	sadd.s32 $0x100, s9;
	v8 =	vld.idx.msk [tilespmem:v19+s24+$0x0], $0xffff  }
0x1f7: {  	v10 =	vmul.f32 v21, v20;
	v20 =	vld.idx.msk [tilespmem:v14+s24+$0x0], $0xffff;
	[tilespmem:s9+$0xFFFFFFF0] =	vst v6  }
0x1f8: {  	v6 =	vld.idx.msk [tilespmem:v11+s25+$0x0], $0xffff  }
0x1f9: {  	[tilespmem:s9+$0xFFFFFF90] =	vst v10;
	v10 =	vmul.f32 v23, v22;
	v9 =	vld.idx.msk [tilespmem:v9+s25+$0x0], $0xffff  }
0x1fa: {  	v11 =	vld.idx.msk [tilespmem:v3+s24+$0x0], $0xffff  }
0x1fb: {  	[tilespmem:s9+$0xFFFFFFA0] =	vst v10;
	v10 =	vld.idx.msk [tilespmem:v15+s24+$0x0], $0xffff  }
0x1fc: {  	v8 =	vmul.f32 v8, v24;
	v21 =	vld.idx.msk [tilespmem:v18+s24+$0x0], $0xffff  }
0x1fd: {  	v16 =	vmul.f32 v20, v16;
	v20 =	vld.idx.msk [tilespmem:v17+s24+$0x0], $0xffff  }
0x1fe: {  	[tilespmem:s9+$0xFFFFFF80] =	vst v8;
	v8 =	vld.idx.msk [tilespmem:v1+s24+$0x0], $0xffff  }
0x1ff: {  	v6 =	vmul.f32 v9, v6;
	[tilespmem:s9+$0xFFFFFFB0] =	vst v16;
	v16 =	vld.idx.msk [tilespmem:v0+s24+$0x0], $0xffff  }
0x200: {  	v9 =	vld.idx.msk [tilespmem:v12+s25+$0x0], $0xffff  }
0x201: {  	v10 =	vmul.f32 v10, v11;
	v12 =	vld.idx.msk [tilespmem:v19+s25+$0x0], $0xffff;
	[tilespmem:s9+$0x70] =	vst v6  }
0x202: {  	v6 =	vld.idx.msk [tilespmem:v7+s25+$0x0], $0xffff  }
0x203: {  	v7 =	vmul.f32 v20, v21;
	v4 =	vld.idx.msk [tilespmem:v4+s25+$0x0], $0xffff;
	[tilespmem:s9+$0xFFFFFFC0] =	vst v10  }
0x204: {  	v10 =	vld.idx.msk [tilespmem:v5+s25+$0x0], $0xffff  }
0x205: {  	v11 =	vld.idx.msk [tilespmem:v13+s25+$0x0], $0xffff;
	[tilespmem:s9+$0xFFFFFFD0] =	vst v7;
	v7 =	vmul.f32 v16, v8  }
0x206: {  	v2 =	vld.idx.msk [tilespmem:v2+s25+$0x0], $0xffff  }
.Ltmp5:
0x207: {  	v8 =	vmul.f32 v12, v9;
	v5 =	vld.idx.msk [tilespmem:v14+s25+$0x0], $0xffff;
	[tilespmem:s9+$0xFFFFFFE0] =	vst v7;
	(pc) =	sbr.rel @p0 .LBB2_12-.Ltmp5, $4  }
0x208: {  	v3 =	vld.idx.msk [tilespmem:v3+s25+$0x0], $0xffff  }
0x209: {  	v7 =	vmul.f32 v4, v6;
	[tilespmem:s9+$0x0] =	vst v8;
	v6 =	vld.idx.msk [tilespmem:v15+s25+$0x0], $0xffff  }
0x20a: {  	v4 =	vld.idx.msk [tilespmem:v18+s25+$0x0], $0xffff  }
0x20b: {  	s13 =	sadd.s32 $0x80, s13;
	v8 =	vmul.f32 v11, v10;
	[tilespmem:s9+$0x10] =	vst v7;
	v7 =	vld.idx.msk [tilespmem:v17+s25+$0x0], $0xffff  }
0x20c: {  	_ =	sdelay $0x3  }
0x20d: {  	v1 =	vld.idx.msk [tilespmem:v1+s25+$0x0], $0xffff  }
0x20e: {  	v0 =	vld.idx.msk [tilespmem:v0+s25+$0x0], $0xffff;
	_ =	sdelay $0x1  }
0x20f: {  	v2 =	vmul.f32 v5, v2  }
0x210: {  	[tilespmem:s9+$0x20] =	vst v8;
	v3 =	vmul.f32 v6, v3  }
0x211: {  	[tilespmem:s9+$0x30] =	vst v2;
	v2 =	vmul.f32 v7, v4  }
0x212: {  	[tilespmem:s9+$0x40] =	vst v3;
	v0 =	vmul.f32 v0, v1  }
0x213: {  	[tilespmem:s9+$0x50] =	vst v2  }
0x214: {  	[tilespmem:s9+$0x60] =	vst v0  }
0x215: {  	[hbm4b:s18+s30] =	stream.strided.scatter [tilespmem:s31], [sflag:$0x3], $0x4000, s23, s30, $0x38;
	[tilespmem:$0x1A000] =	vst v63  }
0x216: {  	_ =	swait.ge [sflag:s2], $0x4000  }
0x217: {  	[sflag:s2] =	ssyncset.done $0x0  }
0x218: {  	[sflag:s2] =	ssyncadd.s32 $0xFFFFC000  }
0x219: {  	_ =	swait.ge [sflag:s2], $0x4000  }
0x21a: {  	[sflag:s2] =	ssyncset.done $0x0  }
0x21b: {  	[sflag:s2] =	ssyncadd.s32 $0xFFFFC000  }
0x21c: {  	_ =	swait.ge [sflag:s7], $0x4000  }
0x21d: {  	[sflag:s7] =	ssyncset.done $0x0  }
0x21e: {  	s17 =	simm.s32 $0x40;
	[sflag:s7] =	ssyncadd.s32 $0xFFFFC000  }
0x21f: {  	v0 =	vld [tilespmem:s17+$0x30];
	_ =	sdelay $0x1  }
0x220: {  	v1 =	vld [tilespmem:s17+$0xFFFFFFD0];
	_ =	sdelay $0x1  }
0x221: {  	v2 =	vld [tilespmem:s17+$0xFFFFFFE0]  }
0x222: {  	v3 =	vld [tilespmem:s17+$0xFFFFFFF0];
	v4 =	vand.u32 $0xFFFF, v0  }
0x223: {  	v5 =	vld [tilespmem:s17+$0x0];
	v0 =	vshra.s32 v0, $0x10  }
0x224: {  	v7 =	vld [tilespmem:s17+$0xFFFFFFC0];
	v6 =	vand.u32 $0xFFFF, v1  }
0x225: {  	v8 =	vld [tilespmem:s17+$0x10];
	v9 =	vshra.s32 v1, $0x10  }
0x226: {  	v10 =	vld [tilespmem:s17+$0x20];
	v11 =	vand.u32 $0xFFFF, v2  }
0x227: {  	v2 =	vshra.s32 v2, $0x10;
	v1 =	vld.idx.msk [tilespmem:v4+s26+$0x0], $0xffff  }
0x228: {  	v12 =	vand.u32 $0xFFFF, v3;
	v13 =	vld.idx.msk [tilespmem:v0+s26+$0x0], $0xffff  }
0x229: {  	v14 =	vand.u32 $0xFFFF, v7;
	v15 =	vld.idx.msk [tilespmem:v6+s26+$0x0], $0xffff  }
0x22a: {  	v7 =	vshra.s32 v7, $0x10;
	v16 =	vld.idx.msk [tilespmem:v9+s26+$0x0], $0xffff  }
0x22b: {  	v3 =	vshra.s32 v3, $0x10;
	v17 =	vld.idx.msk [tilespmem:v11+s26+$0x0], $0xffff  }
0x22c: {  	v60 =	vshra.s32 v5, $0x10;
	v18 =	vld.idx.msk [tilespmem:v2+s26+$0x0], $0xffff  }
0x22d: {  	v22 =	vand.u32 $0xFFFF, v8;
	v19 =	vld.idx.msk [tilespmem:v12+s26+$0x0], $0xffff  }
0x22e: {  	v24 =	vshra.s32 v8, $0x10;
	v21 =	vld.idx.msk [tilespmem:v14+s26+$0x0], $0xffff  }
0x22f: {  	v20 =	vand.u32 $0xFFFF, v5;
	v5 =	vld.idx.msk [tilespmem:v7+s26+$0x0], $0xffff  }
0x230: {  	v23 =	vld.idx.msk [tilespmem:v3+s26+$0x0], $0xffff  }
0x231: {  	v25 =	vld.idx.msk [tilespmem:v60+s26+$0x0], $0xffff;
	v1 =	vmul.f32 v13, v1  }
0x232: {  	s9 =	simm.s32 $0x16080;
	v26 =	vld.idx.msk [tilespmem:v22+s26+$0x0], $0xffff  }
0x233: {  	v61 =	vld.idx.msk [tilespmem:v24+s26+$0x0], $0xffff;
	[tilespmem:s9+$0xFFFFFFF0] =	vst v1  }
0x234: {  	v5 =	vmul.f32 v5, v21;
	v4 =	vld.idx.msk [tilespmem:v4+s28+$0x0], $0xffff  }
0x235: {  	v8 =	vld.idx.msk [tilespmem:v0+s28+$0x0], $0xffff  }
0x236: {  	v15 =	vmul.f32 v16, v15;
	v1 =	vand.u32 $0xFFFF, v10;
	[tilespmem:s9+$0xFFFFFF80] =	vst v5;
	v0 =	vshra.s32 v10, $0x10;
	v10 =	vld.idx.msk [tilespmem:v20+s26+$0x0], $0xffff  }
0x237: {  	v14 =	vld.idx.msk [tilespmem:v14+s28+$0x0], $0xffff  }
0x238: {  	[tilespmem:s9+$0xFFFFFF90] =	vst v15;
	v7 =	vld.idx.msk [tilespmem:v7+s28+$0x0], $0xffff  }
0x239: {  	v6 =	vld.idx.msk [tilespmem:v6+s28+$0x0], $0xffff  }
0x23a: {  	v62 =	vmul.f32 v18, v17;
	v9 =	vld.idx.msk [tilespmem:v9+s28+$0x0], $0xffff  }
0x23b: {  	v63 =	vmul.f32 v23, v19;
	v27 =	vld.idx.msk [tilespmem:v1+s26+$0x0], $0xffff  }
0x23c: {  	[tilespmem:s9+$0xFFFFFFA0] =	vst v62;
	v5 =	vld.idx.msk [tilespmem:v0+s26+$0x0], $0xffff;
	v4 =	vmul.f32 v8, v4  }
0x23d: {  	[tilespmem:s9+$0xFFFFFFB0] =	vst v63;
	v8 =	vld.idx.msk [tilespmem:v11+s28+$0x0], $0xffff;
	v10 =	vmul.f32 v25, v10  }
0x23e: {  	v11 =	vld.idx.msk [tilespmem:v2+s28+$0x0], $0xffff;
	[tilespmem:s9+$0x70] =	vst v4;
	v4 =	vmul.f32 v61, v26  }
0x23f: {  	v2 =	vld.idx.msk [tilespmem:v12+s28+$0x0], $0xffff;
	[tilespmem:s9+$0xFFFFFFC0] =	vst v10  }
0x240: {  	[tilespmem:s9+$0xFFFFFFD0] =	vst v4;
	v4 =	vmul.f32 v7, v14;
	v7 =	vmul.f32 v9, v6;
	v6 =	vld.idx.msk [tilespmem:v60+s28+$0x0], $0xffff  }
0x241: {  	v10 =	vmul.f32 v5, v27;
	v5 =	vld.idx.msk [tilespmem:v3+s28+$0x0], $0xffff  }
0x242: {  	v3 =	vld.idx.msk [tilespmem:v20+s28+$0x0], $0xffff;
	[tilespmem:s9+$0x0] =	vst v4  }
0x243: {  	v4 =	vld.idx.msk [tilespmem:v22+s28+$0x0], $0xffff;
	[tilespmem:s9+$0x10] =	vst v7  }
0x244: {  	s10 =	simm.s32 $0x0;
	s13 =	simm.s32 $0xC0;
	v8 =	vmul.f32 v11, v8;
	v7 =	vld.idx.msk [tilespmem:v24+s28+$0x0], $0xffff;
	[tilespmem:s9+$0xFFFFFFE0] =	vst v10  }
.LBB2_14:
0x245: {  	v9 =	vld [tilespmem:s13+$0x30]  }
0x246: {  	v2 =	vmul.f32 v5, v2;
	v10 =	vld [tilespmem:s13+$0xFFFFFFD0];
	[tilespmem:s9+$0x20] =	vst v8  }
0x247: {  	s10 =	sadd.s32 $0x8, s10;
	v5 =	vld [tilespmem:s13+$0xFFFFFFE0]  }
0x248: {  	p0 =	slt.u32 s10, $0x1F8;
	v8 =	vld [tilespmem:s13+$0xFFFFFFF0];
	[tilespmem:s9+$0x30] =	vst v2;
	v2 =	vmul.f32 v6, v3  }
0x249: {  	v3 =	vld [tilespmem:s13+$0x0]  }
0x24a: {  	v6 =	vld [tilespmem:s13+$0x10];
	v11 =	vand.u32 $0xFFFF, v9;
	[tilespmem:s9+$0x40] =	vst v2;
	v2 =	vmul.f32 v7, v4  }
0x24b: {  	v9 =	vshra.s32 v9, $0x10;
	v4 =	vshra.s32 v10, $0x10;
	v7 =	vand.u32 $0xFFFF, v10;
	v10 =	vld [tilespmem:s13+$0x20]  }
0x24c: {  	v12 =	vld [tilespmem:s13+$0xFFFFFFC0];
	v13 =	vshra.s32 v5, $0x10;
	v5 =	vand.u32 $0xFFFF, v5;
	[tilespmem:s9+$0x50] =	vst v2  }
0x24d: {  	v14 =	vshra.s32 v8, $0x10;
	v2 =	vand.u32 $0xFFFF, v8;
	v8 =	vld.idx.msk [tilespmem:v1+s28+$0x0], $0xffff  }
0x24e: {  	v15 =	vshra.s32 v3, $0x10;
	v3 =	vand.u32 $0xFFFF, v3;
	v16 =	vld.idx.msk [tilespmem:v0+s28+$0x0], $0xffff  }
0x24f: {  	v17 =	vshra.s32 v6, $0x10;
	v18 =	vand.u32 $0xFFFF, v6;
	v6 =	vld.idx.msk [tilespmem:v11+s26+$0x0], $0xffff  }
0x250: {  	v0 =	vshra.s32 v10, $0x10;
	v1 =	vand.u32 $0xFFFF, v10;
	v10 =	vld.idx.msk [tilespmem:v9+s26+$0x0], $0xffff  }
0x251: {  	v19 =	vshra.s32 v12, $0x10;
	v12 =	vand.u32 $0xFFFF, v12;
	v20 =	vld.idx.msk [tilespmem:v7+s26+$0x0], $0xffff  }
0x252: {  	v21 =	vld.idx.msk [tilespmem:v4+s26+$0x0], $0xffff  }
0x253: {  	v22 =	vld.idx.msk [tilespmem:v5+s26+$0x0], $0xffff  }
0x254: {  	v8 =	vmul.f32 v16, v8;
	v23 =	vld.idx.msk [tilespmem:v13+s26+$0x0], $0xffff  }
0x255: {  	v16 =	vld.idx.msk [tilespmem:v2+s26+$0x0], $0xffff  }
0x256: {  	v6 =	vmul.f32 v10, v6;
	v24 =	vld.idx.msk [tilespmem:v12+s26+$0x0], $0xffff;
	[tilespmem:s9+$0x60] =	vst v8  }
0x257: {  	s9 =	sadd.s32 $0x100, s9;
	v8 =	vld.idx.msk [tilespmem:v19+s26+$0x0], $0xffff  }
0x258: {  	v10 =	vmul.f32 v21, v20;
	v20 =	vld.idx.msk [tilespmem:v14+s26+$0x0], $0xffff;
	[tilespmem:s9+$0xFFFFFFF0] =	vst v6  }
0x259: {  	v6 =	vld.idx.msk [tilespmem:v11+s28+$0x0], $0xffff  }
0x25a: {  	[tilespmem:s9+$0xFFFFFF90] =	vst v10;
	v10 =	vmul.f32 v23, v22;
	v9 =	vld.idx.msk [tilespmem:v9+s28+$0x0], $0xffff  }
0x25b: {  	v11 =	vld.idx.msk [tilespmem:v3+s26+$0x0], $0xffff  }
0x25c: {  	[tilespmem:s9+$0xFFFFFFA0] =	vst v10;
	v10 =	vld.idx.msk [tilespmem:v15+s26+$0x0], $0xffff  }
0x25d: {  	v8 =	vmul.f32 v8, v24;
	v21 =	vld.idx.msk [tilespmem:v18+s26+$0x0], $0xffff  }
0x25e: {  	v16 =	vmul.f32 v20, v16;
	v20 =	vld.idx.msk [tilespmem:v17+s26+$0x0], $0xffff  }
0x25f: {  	[tilespmem:s9+$0xFFFFFF80] =	vst v8;
	v8 =	vld.idx.msk [tilespmem:v1+s26+$0x0], $0xffff  }
0x260: {  	v6 =	vmul.f32 v9, v6;
	[tilespmem:s9+$0xFFFFFFB0] =	vst v16;
	v16 =	vld.idx.msk [tilespmem:v0+s26+$0x0], $0xffff  }
0x261: {  	v9 =	vld.idx.msk [tilespmem:v12+s28+$0x0], $0xffff  }
0x262: {  	v10 =	vmul.f32 v10, v11;
	v12 =	vld.idx.msk [tilespmem:v19+s28+$0x0], $0xffff;
	[tilespmem:s9+$0x70] =	vst v6  }
0x263: {  	v6 =	vld.idx.msk [tilespmem:v7+s28+$0x0], $0xffff  }
0x264: {  	v7 =	vmul.f32 v20, v21;
	v4 =	vld.idx.msk [tilespmem:v4+s28+$0x0], $0xffff;
	[tilespmem:s9+$0xFFFFFFC0] =	vst v10  }
0x265: {  	v10 =	vld.idx.msk [tilespmem:v5+s28+$0x0], $0xffff  }
0x266: {  	v11 =	vld.idx.msk [tilespmem:v13+s28+$0x0], $0xffff;
	[tilespmem:s9+$0xFFFFFFD0] =	vst v7;
	v7 =	vmul.f32 v16, v8  }
0x267: {  	v2 =	vld.idx.msk [tilespmem:v2+s28+$0x0], $0xffff  }
.Ltmp6:
0x268: {  	v8 =	vmul.f32 v12, v9;
	v5 =	vld.idx.msk [tilespmem:v14+s28+$0x0], $0xffff;
	[tilespmem:s9+$0xFFFFFFE0] =	vst v7;
	(pc) =	sbr.rel @p0 .LBB2_14-.Ltmp6, $4  }
0x269: {  	v3 =	vld.idx.msk [tilespmem:v3+s28+$0x0], $0xffff  }
0x26a: {  	v7 =	vmul.f32 v4, v6;
	[tilespmem:s9+$0x0] =	vst v8;
	v6 =	vld.idx.msk [tilespmem:v15+s28+$0x0], $0xffff  }
0x26b: {  	v4 =	vld.idx.msk [tilespmem:v18+s28+$0x0], $0xffff  }
0x26c: {  	s13 =	sadd.s32 $0x80, s13;
	v8 =	vmul.f32 v11, v10;
	[tilespmem:s9+$0x10] =	vst v7;
	v7 =	vld.idx.msk [tilespmem:v17+s28+$0x0], $0xffff  }
0x26d: {  	_ =	sdelay $0x3  }
0x26e: {  	v1 =	vld.idx.msk [tilespmem:v1+s28+$0x0], $0xffff  }
0x26f: {  	v0 =	vld.idx.msk [tilespmem:v0+s28+$0x0], $0xffff;
	_ =	sdelay $0x1  }
0x270: {  	v2 =	vmul.f32 v5, v2  }
0x271: {  	[tilespmem:s9+$0x20] =	vst v8;
	v3 =	vmul.f32 v6, v3  }
0x272: {  	[tilespmem:s9+$0x30] =	vst v2;
	v63 =	vmul.f32 v7, v4  }
0x273: {  	[tilespmem:s9+$0x40] =	vst v3;
	v0 =	vmul.f32 v0, v1  }
0x274: {  	[tilespmem:s9+$0x50] =	vst v63  }
0x275: {  	s8 =	sadd.s32 $0x1, s8;
	[tilespmem:s9+$0x60] =	vst v0  }
0x276: {  	[hbm4b:s19+s30] =	stream.strided.scatter [tilespmem:s0], [sflag:$0x4], $0x4000, s23, s30, $0x38;
	[tilespmem:$0x1A000] =	vst v63  }
0x277: {  	p0 =	sne.s32 s8, s20;
	_ =	swait.ge [sflag:s4], $0x4000  }
.Ltmp7:
0x278: {  	[sflag:s4] =	ssyncset.done $0x0;
	(pc) =	sbr.rel @p0 .LBB2_1-.Ltmp7, $4  }
0x279: {  	[sflag:s4] =	ssyncadd.s32 $0xFFFFC000  }
0x27a: {  	_ =	swait.ge [sflag:s7], $0x4000  }
0x27b: {  	[sflag:s7] =	ssyncset.done $0x0  }
0x27c: {  	[sflag:s7] =	ssyncadd.s32 $0xFFFFC000  }
0x27d: {  	_ =	sfence.sel $0x180000  }
0x27e: {  	[bflag:$0x0] =	sbarrier.arrive $0xFFFF  }
0x27f: {  	_ =	strace $0x90000047  }
0x280: {  	s0 =	stileid.u32;
	[bflag:$0x2] =	sbarrier.arrive $0xFFFF  }
0x281: {  	p0 =	sne.s32 s0, $0x0;
	s0 =	rddreg [dreg:$0x3]  }
0x282: {  	s0 =	sadd.s32 @!p0 $0x100000, s0  }
0x283: {  	[sflag:s0] =	ssyncadd.tile.s32 @!p0 $0x1;
	_ =	shalt  }
.Lfunc_end2:
_tile_overlayer_lowered:
.L_overlay_start_2:
0x284: {  	(tag) =	ssettag $0x2  }
0x285: {  	s0 =	rddreg [dreg:$0x0];
	s2 =	stileid.u32  }
0x286: {  	s1 =	rddreg [dreg:$0x1];
	p0 =	sne.s32 s2, $0x0  }
0x287: {  	s3 =	rddreg [dreg:$0x2];
	[bflag:$0x3] =	sbarrier.arrive $0xFFFF;
	s2 =	simm.s32 @!p0 $0x1C05  }
0x288: {  	[timem:s3], [sflag:s2] =	dma.local @!p0 [hbm:s0], s1  }
0x289: {  	s0 =	simm.s32 @!p0 $0x5  }
0x28a: {  	_ =	swait.ge @!p0 [sflag:s0], s1  }
0x28b: {  	s1 =	ssub.s32 @!p0 $0x0, s1;
	[sflag:s0] =	ssyncset.done @!p0 $0x0  }
0x28c: {  	[sflag:s0] =	ssyncadd.s32 @!p0 s1  }
0x28d: {  	[bflag:$0x3] =	sbarrier.arrive $0xFFFF  }
0x28e: {  	_ =	shalt  }

</sc_bundles>
